<compile_context>
chip_gen: v7x
topology: tpu7x:2x2x1
jax: 0.10.2.dev20260603
libtpu: 0.0.44.dev20260713+nightly
codegen_flags: <defaults>
</compile_context>

<pallas_src>
import jax
import jax.numpy as jnp
from jax import lax
from jax.experimental import pallas as pl
from jax.experimental.pallas import tpu as pltpu
from jax.experimental.pallas import tpu_sc as plsc

B, S, C = 16, 2048, 512
T = 128
W = 16
TC_VIDEOS = 12
SC_VIDEOS = B - TC_VIDEOS
NC, NS = 2, 16
NW = NC * NS
SC_ROWS_OUT = SC_VIDEOS * T
OUT_PER_W = SC_ROWS_OUT // NW
CHUNK_OUT = 4
CHUNK_IN = CHUNK_OUT * W
NCHUNK = OUT_PER_W // CHUNK_OUT
LANES = 16
NCOL = C // LANES


def _sc_body(x_hbm, out_hbm, in_buf, out_buf, sem0, sem1):
    wid = lax.axis_index("s") * NC + lax.axis_index("c")
    obase = wid * OUT_PER_W
    ibase = TC_VIDEOS * S + obase * W
    sems = (sem0, sem1)

    def start(g, slot):
        return pltpu.async_copy(
            x_hbm.at[pl.ds(ibase + g * CHUNK_IN, CHUNK_IN)],
            in_buf.at[slot],
            sems[slot],
        )

    pending = [start(0, 0), None]
    for g in range(NCHUNK):
        slot = g % 2
        pending[slot].wait()
        if g + 1 < NCHUNK:
            pending[1 - slot] = start(g + 1, 1 - slot)

        ib = in_buf.at[slot]

        def row_body(r4, carry, g=g, ib=ib):
            orow = g * CHUNK_OUT + r4
            is_last = ((obase + orow) % T) == (T - 1)
            keep = jnp.where(is_last, 0.0, 1.0).astype(jnp.float32)
            scale = jnp.where(is_last, 1.0 / 15.0, 1.0 / 16.0).astype(
                jnp.float32)
            rb = r4 * W

            def col_body(j, carry2):
                for u in range(2):
                    cs = (j * 2 + u) * LANES
                    v = [ib[rb + r, pl.ds(cs, LANES)] for r in range(W)]
                    v[W - 1] = v[W - 1] * keep
                    while len(v) > 1:
                        v = [v[i] + v[i + 1] for i in range(0, len(v), 2)]
                    out_buf[orow, pl.ds(cs, LANES)] = v[0] * scale
                return carry2

            return lax.fori_loop(0, NCOL // 2, col_body, carry)

        lax.fori_loop(0, CHUNK_OUT, row_body, 0)

    pltpu.sync_copy(out_buf, out_hbm.at[pl.ds(obase, OUT_PER_W)])


def _sc_pool(x):
    mesh = plsc.VectorSubcoreMesh(core_axis_name="c", subcore_axis_name="s")
    return pl.kernel(
        _sc_body,
        out_type=jax.ShapeDtypeStruct((SC_ROWS_OUT, C), jnp.float32),
        mesh=mesh,
        scratch_types=[
            pltpu.VMEM((2, CHUNK_IN, C), jnp.float32),
            pltpu.VMEM((OUT_PER_W, C), jnp.float32),
            pltpu.SemaphoreType.DMA,
            pltpu.SemaphoreType.DMA,
        ],
    )(x)


TC_VPB = 2


def _tc_body(x_ref, o_ref):
    x = x_ref[...]
    total = jnp.sum(x, axis=1)
    last_frame = x[:, W - 1, :]
    bucket = lax.broadcasted_iota(jnp.int32, (TC_VPB * T, C), 0)
    is_last = bucket % T == T - 1
    adj = total - jnp.where(is_last, last_frame, 0.0)
    o_ref[...] = adj * jnp.where(is_last, 1.0 / 15.0, 1.0 / 16.0)


def _tc_pool(x3):
    return pl.pallas_call(
        _tc_body,
        grid=(TC_VIDEOS // TC_VPB,),
        in_specs=[pl.BlockSpec((TC_VPB * T, W, C), lambda i: (i, 0, 0))],
        out_specs=pl.BlockSpec((TC_VPB * T, C), lambda i: (i, 0)),
        out_shape=jax.ShapeDtypeStruct((B * T, C), jnp.float32),
    )(x3)


@jax.jit
def kernel(video_feats, video_masks):
    del video_masks
    x = video_feats.reshape(B * S, C)
    x3 = video_feats.reshape(B * T, W, C)
    out_tc = _tc_pool(x3)
    out_sc = _sc_pool(x)
    out = lax.dynamic_update_slice(out_tc, out_sc, (TC_VIDEOS * T, 0))
    return out.reshape(B, T, C)

# --- scband reference (transcript-rebuilt; emitter-appended) ---
"""Pipeline reference for scband-aggregate-video-25598005084626 (READ-ONLY COPY).

The authoritative reference and input builder live on the scoring server;
editing this copy changes nothing except your own understanding.
"""

import jax, jax.numpy as jnp
import numpy as np

TGT_NUM = 128


def setup_inputs(seed: int = 0) -> dict:
    key = jax.random.key(seed)
    video_feats = jax.random.normal(jax.random.fold_in(key, 0), (16, 2048, 512), dtype=jnp.float32)
    video_masks = jnp.ones((16, 2048), dtype=bool)
    return {"video_feats": video_feats, "video_masks": video_masks}


def _bucket_idxs(src_num: int, tgt_num: int) -> np.ndarray:
    idxs = np.arange(0, tgt_num + 1) / tgt_num * src_num
    idxs = np.round(idxs).astype(np.int64)
    idxs = np.clip(idxs, None, src_num - 1)
    return idxs


def _aggregate_feats(feats: jnp.ndarray, tgt_num: int) -> jnp.ndarray:
    src_num = feats.shape[0]
    idxs = _bucket_idxs(src_num, tgt_num)
    buckets = []
    for i in range(tgt_num):
        s, e = int(idxs[i]), int(idxs[i + 1])
        if s < e:
            buckets.append(feats[s:e].mean(axis=0))
        else:
            buckets.append(feats[s])
    return jnp.stack(buckets)


def reference(video_feats, video_masks):
    outs = []
    for i in range(video_feats.shape[0]):
        idx = jnp.argsort(jnp.logical_not(video_masks[i]), stable=True)
        masked = jnp.take(video_feats[i], idx, axis=0)
        outs.append(_aggregate_feats(masked, TGT_NUM))
    return jnp.stack(outs)

if __name__ == "__main__":
    import jax
    _d = setup_inputs()
    print(jax.jit(kernel)(*tuple(_d.values())))

</pallas_src>

<mosaic_0001>
#map = affine_map<(d0, d1) -> (0, 0)>
module attributes {stable_mosaic.version = 14 : i64} {
  func.func @_sc_body(%arg0: i32, %arg1: i32, %arg2: memref<32768x512xf32, #tpu.memory_space<hbm>>, %arg3: memref<512x512xf32, #tpu.memory_space<hbm>>, %arg4: memref<2x64x512xf32, #tpu.memory_space<vmem>>, %arg5: memref<16x512xf32, #tpu.memory_space<vmem>>, %arg6: memref<!tpu.dma_semaphore, #tpu.memory_space<semaphore_mem>>, %arg7: memref<!tpu.dma_semaphore, #tpu.memory_space<semaphore_mem>>) attributes {dimension_semantics = [#tpu.dimension_semantics<core_parallel>, #tpu.dimension_semantics<subcore_parallel>], iteration_bounds = array<i64: 2, 16>, scalar_prefetch = 0 : i64, scratch_operands = 4 : i64, tpu.core_type = #tpu.core_type<sc_vector_subcore>, window_params = [{transform_indices = #map}, {transform_indices = #map}]} {
    %mul3A = arith.constant 2 : i32
    %mul3A_0 = arith.muli %arg1, %mul3A : i32
    %add3A = arith.addi %mul3A_0, %arg0 : i32
    %mul3A_1 = arith.constant 16 : i32
    %mul3A_2 = arith.muli %add3A, %mul3A_1 : i32
    %mul3A_3 = arith.constant 16 : i32
    %mul3A_4 = arith.muli %mul3A_2, %mul3A_3 : i32
    %add3A_5 = arith.constant 24576 : i32
    %add3A_6 = arith.addi %add3A_5, %mul3A_4 : i32
    %add3A_7 = arith.constant 0 : i32
    %add3A_8 = arith.addi %add3A_6, %add3A_7 : i32
    %dma_start3A = arith.constant 0 : i32
    %dma_start3A_9 = arith.constant 0 : i32
    %dma_start3A_10 = arith.constant 0 : i32
    %dma_start3A_11 = tpu.memref_slice %arg4[%dma_start3A, %dma_start3A_9, %dma_start3A_10] : memref<2x64x512xf32, #tpu.memory_space<vmem>> -> memref<1x64x512xf32, #tpu.memory_space<vmem>>
    %dma_start3A_12 = tpu.memref_squeeze %dma_start3A_11 : memref<1x64x512xf32, #tpu.memory_space<vmem>> -> memref<64x512xf32, #tpu.memory_space<vmem>>
    %dma_start3A_13 = arith.constant 0 : i32
    %dma_start3A_14 = tpu.memref_slice %arg2[%add3A_8, %dma_start3A_13] : memref<32768x512xf32, #tpu.memory_space<hbm>> -> memref<64x512xf32, #tpu.memory_space<hbm>>
    %dma_start3A_15 = arith.constant 0 : i32
    %dma_start3A_16 = arith.constant 0 : i32
    %dma_start3A_17 = tpu.memref_slice %arg4[%dma_start3A, %dma_start3A_15, %dma_start3A_16] : memref<2x64x512xf32, #tpu.memory_space<vmem>> -> memref<1x64x512xf32, #tpu.memory_space<vmem>>
    %dma_start3A_18 = tpu.memref_squeeze %dma_start3A_17 : memref<1x64x512xf32, #tpu.memory_space<vmem>> -> memref<64x512xf32, #tpu.memory_space<vmem>>
    %dma_start3A_19 = arith.constant 0 : i32
    %dma_start3A_20 = tpu.memref_slice %arg2[%add3A_8, %dma_start3A_19] : memref<32768x512xf32, #tpu.memory_space<hbm>> -> memref<64x512xf32, #tpu.memory_space<hbm>>
    tpu.enqueue_dma source(%dma_start3A_20 : memref<64x512xf32, #tpu.memory_space<hbm>>) target(%dma_start3A_18 : memref<64x512xf32, #tpu.memory_space<vmem>>) target_semaphore(%arg6 : memref<!tpu.dma_semaphore, #tpu.memory_space<semaphore_mem>>)
    %dma_wait3A = arith.constant 0 : i32
    %dma_wait3A_21 = arith.constant 0 : i32
    %dma_wait3A_22 = arith.constant 0 : i32
    %dma_wait3A_23 = tpu.memref_slice %arg4[%dma_wait3A, %dma_wait3A_21, %dma_wait3A_22] : memref<2x64x512xf32, #tpu.memory_space<vmem>> -> memref<1x64x512xf32, #tpu.memory_space<vmem>>
    %dma_wait3A_24 = tpu.memref_squeeze %dma_wait3A_23 : memref<1x64x512xf32, #tpu.memory_space<vmem>> -> memref<64x512xf32, #tpu.memory_space<vmem>>
    %dma_wait3A_25 = arith.constant 0 : i32
    %dma_wait3A_26 = tpu.memref_slice %arg2[%add3A_8, %dma_wait3A_25] : memref<32768x512xf32, #tpu.memory_space<hbm>> -> memref<64x512xf32, #tpu.memory_space<hbm>>
    %dma_wait3A_27 = arith.constant 0 : i32
    %dma_wait3A_28 = arith.constant 0 : i32
    %dma_wait3A_29 = tpu.memref_slice %arg4[%dma_wait3A, %dma_wait3A_27, %dma_wait3A_28] : memref<2x64x512xf32, #tpu.memory_space<vmem>> -> memref<1x64x512xf32, #tpu.memory_space<vmem>>
    %dma_wait3A_30 = tpu.memref_squeeze %dma_wait3A_29 : memref<1x64x512xf32, #tpu.memory_space<vmem>> -> memref<64x512xf32, #tpu.memory_space<vmem>>
    %dma_wait3A_31 = arith.constant 0 : i32
    %dma_wait3A_32 = tpu.memref_slice %arg2[%add3A_8, %dma_wait3A_31] : memref<32768x512xf32, #tpu.memory_space<hbm>> -> memref<64x512xf32, #tpu.memory_space<hbm>>
    tpu.wait_dma2 semaphore(%arg6 : memref<!tpu.dma_semaphore, #tpu.memory_space<semaphore_mem>>) src(%dma_wait3A_32 : memref<64x512xf32, #tpu.memory_space<hbm>>) dst(%dma_wait3A_30 : memref<64x512xf32, #tpu.memory_space<vmem>>)
    %add3A_33 = arith.constant 64 : i32
    %add3A_34 = arith.addi %add3A_6, %add3A_33 : i32
    %dma_start3A_35 = arith.constant 1 : i32
    %dma_start3A_36 = arith.constant 0 : i32
    %dma_start3A_37 = arith.constant 0 : i32
    %dma_start3A_38 = tpu.memref_slice %arg4[%dma_start3A_35, %dma_start3A_36, %dma_start3A_37] : memref<2x64x512xf32, #tpu.memory_space<vmem>> -> memref<1x64x512xf32, #tpu.memory_space<vmem>>
    %dma_start3A_39 = tpu.memref_squeeze %dma_start3A_38 : memref<1x64x512xf32, #tpu.memory_space<vmem>> -> memref<64x512xf32, #tpu.memory_space<vmem>>
    %dma_start3A_40 = arith.constant 0 : i32
    %dma_start3A_41 = tpu.memref_slice %arg2[%add3A_34, %dma_start3A_40] : memref<32768x512xf32, #tpu.memory_space<hbm>> -> memref<64x512xf32, #tpu.memory_space<hbm>>
    %dma_start3A_42 = arith.constant 0 : i32
    %dma_start3A_43 = arith.constant 0 : i32
    %dma_start3A_44 = tpu.memref_slice %arg4[%dma_start3A_35, %dma_start3A_42, %dma_start3A_43] : memref<2x64x512xf32, #tpu.memory_space<vmem>> -> memref<1x64x512xf32, #tpu.memory_space<vmem>>
    %dma_start3A_45 = tpu.memref_squeeze %dma_start3A_44 : memref<1x64x512xf32, #tpu.memory_space<vmem>> -> memref<64x512xf32, #tpu.memory_space<vmem>>
    %dma_start3A_46 = arith.constant 0 : i32
    %dma_start3A_47 = tpu.memref_slice %arg2[%add3A_34, %dma_start3A_46] : memref<32768x512xf32, #tpu.memory_space<hbm>> -> memref<64x512xf32, #tpu.memory_space<hbm>>
    tpu.enqueue_dma source(%dma_start3A_47 : memref<64x512xf32, #tpu.memory_space<hbm>>) target(%dma_start3A_45 : memref<64x512xf32, #tpu.memory_space<vmem>>) target_semaphore(%arg7 : memref<!tpu.dma_semaphore, #tpu.memory_space<semaphore_mem>>)
    %scan3A = arith.constant 0 : i32
    %scan3A_48 = arith.constant 0 : i32
    %scan3A_49 = arith.constant 0 : i32
    %scan3A_50 = arith.constant 4 : i32
    %scan3A_51 = arith.addi %scan3A_49, %scan3A_50 : i32
    %scan3A_52 = arith.constant 1 : i32
    scf.for %scan3A_144 = %scan3A_49 to %scan3A_51 step %scan3A_52  : i32 {
      %add3A_145 = arith.constant 0 : i32
      %add3A_146 = arith.addi %add3A_145, %scan3A_144 : i32
      %add3A_147 = arith.addi %mul3A_2, %add3A_146 : i32
      %jit3A = arith.constant 128 : i32
      %eq3A = arith.constant 0 : i32
      %eq3A_148 = arith.cmpi eq, %jit3A, %eq3A : i32
      %jit3A_149 = arith.constant 1 : i32
      %select_n3A = arith.select %eq3A_148, %jit3A_149, %jit3A : i32
      %rem3A = arith.remsi %add3A_147, %select_n3A : i32
      %ne3A = arith.constant 0 : i32
      %ne3A_150 = arith.cmpi ne, %rem3A, %ne3A : i32
      %lt3A = arith.constant 0 : i32
      %lt3A_151 = arith.cmpi slt, %rem3A, %lt3A : i32
      %lt3A_152 = arith.constant 0 : i32
      %lt3A_153 = arith.cmpi slt, %select_n3A, %lt3A_152 : i32
      %ne3A_154 = arith.xori %lt3A_151, %lt3A_153 : i1
      %and3A = arith.andi %ne3A_154, %ne3A_150 : i1
      %add3A_155 = arith.addi %rem3A, %select_n3A : i32
      %select_n3A_156 = arith.select %and3A, %add3A_155, %rem3A : i32
      %eq3A_157 = arith.constant 127 : i32
      %eq3A_158 = arith.cmpi eq, %select_n3A_156, %eq3A_157 : i32
      %jit3A_159 = arith.constant 0.000000e+00 : f32
      %jit3A_160 = arith.constant 1.000000e+00 : f32
      %select_n3A_161 = arith.select %eq3A_158, %jit3A_159, %jit3A_160 : f32
      %jit3A_162 = arith.constant 0.0666666701 : f32
      %jit3A_163 = arith.constant 6.250000e-02 : f32
      %select_n3A_164 = arith.select %eq3A_158, %jit3A_162, %jit3A_163 : f32
      %mul3A_165 = arith.constant 16 : i32
      %mul3A_166 = arith.muli %scan3A_144, %mul3A_165 : i32
      %scan3A_167 = arith.constant 0 : i32
      %scan3A_168 = arith.constant 16 : i32
      %scan3A_169 = arith.addi %scan3A_167, %scan3A_168 : i32
      %scan3A_170 = arith.constant 1 : i32
      scf.for %scan3A_172 = %scan3A_167 to %scan3A_169 step %scan3A_170  : i32 {
        %mul3A_173 = arith.constant 2 : i32
        %mul3A_174 = arith.muli %scan3A_172, %mul3A_173 : i32
        %add3A_175 = arith.constant 0 : i32
        %add3A_176 = arith.addi %mul3A_174, %add3A_175 : i32
        %mul3A_177 = arith.constant 16 : i32
        %mul3A_178 = arith.muli %add3A_176, %mul3A_177 : i32
        %add3A_179 = arith.constant 0 : i32
        %add3A_180 = arith.addi %mul3A_166, %add3A_179 : i32
        %get3A = arith.constant 0 : i32
        %get3A_181 = arith.constant 0 : i32
        %get3A_182 = tpu.memref_slice %arg4[%scan3A_48, %get3A, %get3A_181] : memref<2x64x512xf32, #tpu.memory_space<vmem>> -> memref<1x64x512xf32, #tpu.memory_space<vmem>>
        %get3A_183 = tpu.memref_squeeze %get3A_182 : memref<1x64x512xf32, #tpu.memory_space<vmem>> -> memref<64x512xf32, #tpu.memory_space<vmem>>
        %get3A_184 = arith.index_cast %add3A_180 : i32 to index
        %get3A_185 = arith.index_cast %mul3A_178 : i32 to index
        %get3A_186 = tpu.vector_load %get3A_183[%get3A_184, %get3A_185] {strides = array<i32>} : memref<64x512xf32, #tpu.memory_space<vmem>>, vector<1x16xf32>,
        %get3A_187 = vector.shape_cast %get3A_186 : vector<1x16xf32> to vector<16xf32>
        %add3A_188 = arith.constant 1 : i32
        %add3A_189 = arith.addi %mul3A_166, %add3A_188 : i32
        %get3A_190 = arith.constant 0 : i32
        %get3A_191 = arith.constant 0 : i32
        %get3A_192 = tpu.memref_slice %arg4[%scan3A_48, %get3A_190, %get3A_191] : memref<2x64x512xf32, #tpu.memory_space<vmem>> -> memref<1x64x512xf32, #tpu.memory_space<vmem>>
        %get3A_193 = tpu.memref_squeeze %get3A_192 : memref<1x64x512xf32, #tpu.memory_space<vmem>> -> memref<64x512xf32, #tpu.memory_space<vmem>>
        %get3A_194 = arith.index_cast %add3A_189 : i32 to index
        %get3A_195 = arith.index_cast %mul3A_178 : i32 to index
        %get3A_196 = tpu.vector_load %get3A_193[%get3A_194, %get3A_195] {strides = array<i32>} : memref<64x512xf32, #tpu.memory_space<vmem>>, vector<1x16xf32>,
        %get3A_197 = vector.shape_cast %get3A_196 : vector<1x16xf32> to vector<16xf32>
        %add3A_198 = arith.constant 2 : i32
        %add3A_199 = arith.addi %mul3A_166, %add3A_198 : i32
        %get3A_200 = arith.constant 0 : i32
        %get3A_201 = arith.constant 0 : i32
        %get3A_202 = tpu.memref_slice %arg4[%scan3A_48, %get3A_200, %get3A_201] : memref<2x64x512xf32, #tpu.memory_space<vmem>> -> memref<1x64x512xf32, #tpu.memory_space<vmem>>
        %get3A_203 = tpu.memref_squeeze %get3A_202 : memref<1x64x512xf32, #tpu.memory_space<vmem>> -> memref<64x512xf32, #tpu.memory_space<vmem>>
        %get3A_204 = arith.index_cast %add3A_199 : i32 to index
        %get3A_205 = arith.index_cast %mul3A_178 : i32 to index
        %get3A_206 = tpu.vector_load %get3A_203[%get3A_204, %get3A_205] {strides = array<i32>} : memref<64x512xf32, #tpu.memory_space<vmem>>, vector<1x16xf32>,
        %get3A_207 = vector.shape_cast %get3A_206 : vector<1x16xf32> to vector<16xf32>
        %add3A_208 = arith.constant 3 : i32
        %add3A_209 = arith.addi %mul3A_166, %add3A_208 : i32
        %get3A_210 = arith.constant 0 : i32
        %get3A_211 = arith.constant 0 : i32
        %get3A_212 = tpu.memref_slice %arg4[%scan3A_48, %get3A_210, %get3A_211] : memref<2x64x512xf32, #tpu.memory_space<vmem>> -> memref<1x64x512xf32, #tpu.memory_space<vmem>>
        %get3A_213 = tpu.memref_squeeze %get3A_212 : memref<1x64x512xf32, #tpu.memory_space<vmem>> -> memref<64x512xf32, #tpu.memory_space<vmem>>
        %get3A_214 = arith.index_cast %add3A_209 : i32 to index
        %get3A_215 = arith.index_cast %mul3A_178 : i32 to index
        %get3A_216 = tpu.vector_load %get3A_213[%get3A_214, %get3A_215] {strides = array<i32>} : memref<64x512xf32, #tpu.memory_space<vmem>>, vector<1x16xf32>,
        %get3A_217 = vector.shape_cast %get3A_216 : vector<1x16xf32> to vector<16xf32>
        %add3A_218 = arith.constant 4 : i32
        %add3A_219 = arith.addi %mul3A_166, %add3A_218 : i32
        %get3A_220 = arith.constant 0 : i32
        %get3A_221 = arith.constant 0 : i32
        %get3A_222 = tpu.memref_slice %arg4[%scan3A_48, %get3A_220, %get3A_221] : memref<2x64x512xf32, #tpu.memory_space<vmem>> -> memref<1x64x512xf32, #tpu.memory_space<vmem>>
        %get3A_223 = tpu.memref_squeeze %get3A_222 : memref<1x64x512xf32, #tpu.memory_space<vmem>> -> memref<64x512xf32, #tpu.memory_space<vmem>>
        %get3A_224 = arith.index_cast %add3A_219 : i32 to index
        %get3A_225 = arith.index_cast %mul3A_178 : i32 to index
        %get3A_226 = tpu.vector_load %get3A_223[%get3A_224, %get3A_225] {strides = array<i32>} : memref<64x512xf32, #tpu.memory_space<vmem>>, vector<1x16xf32>,
        %get3A_227 = vector.shape_cast %get3A_226 : vector<1x16xf32> to vector<16xf32>
        %add3A_228 = arith.constant 5 : i32
        %add3A_229 = arith.addi %mul3A_166, %add3A_228 : i32
        %get3A_230 = arith.constant 0 : i32
        %get3A_231 = arith.constant 0 : i32
        %get3A_232 = tpu.memref_slice %arg4[%scan3A_48, %get3A_230, %get3A_231] : memref<2x64x512xf32, #tpu.memory_space<vmem>> -> memref<1x64x512xf32, #tpu.memory_space<vmem>>
        %get3A_233 = tpu.memref_squeeze %get3A_232 : memref<1x64x512xf32, #tpu.memory_space<vmem>> -> memref<64x512xf32, #tpu.memory_space<vmem>>
        %get3A_234 = arith.index_cast %add3A_229 : i32 to index
        %get3A_235 = arith.index_cast %mul3A_178 : i32 to index
        %get3A_236 = tpu.vector_load %get3A_233[%get3A_234, %get3A_235] {strides = array<i32>} : memref<64x512xf32, #tpu.memory_space<vmem>>, vector<1x16xf32>,
        %get3A_237 = vector.shape_cast %get3A_236 : vector<1x16xf32> to vector<16xf32>
        %add3A_238 = arith.constant 6 : i32
        %add3A_239 = arith.addi %mul3A_166, %add3A_238 : i32
        %get3A_240 = arith.constant 0 : i32
        %get3A_241 = arith.constant 0 : i32
        %get3A_242 = tpu.memref_slice %arg4[%scan3A_48, %get3A_240, %get3A_241] : memref<2x64x512xf32, #tpu.memory_space<vmem>> -> memref<1x64x512xf32, #tpu.memory_space<vmem>>
        %get3A_243 = tpu.memref_squeeze %get3A_242 : memref<1x64x512xf32, #tpu.memory_space<vmem>> -> memref<64x512xf32, #tpu.memory_space<vmem>>
        %get3A_244 = arith.index_cast %add3A_239 : i32 to index
        %get3A_245 = arith.index_cast %mul3A_178 : i32 to index
        %get3A_246 = tpu.vector_load %get3A_243[%get3A_244, %get3A_245] {strides = array<i32>} : memref<64x512xf32, #tpu.memory_space<vmem>>, vector<1x16xf32>,
        %get3A_247 = vector.shape_cast %get3A_246 : vector<1x16xf32> to vector<16xf32>
        %add3A_248 = arith.constant 7 : i32
        %add3A_249 = arith.addi %mul3A_166, %add3A_248 : i32
        %get3A_250 = arith.constant 0 : i32
        %get3A_251 = arith.constant 0 : i32
        %get3A_252 = tpu.memref_slice %arg4[%scan3A_48, %get3A_250, %get3A_251] : memref<2x64x512xf32, #tpu.memory_space<vmem>> -> memref<1x64x512xf32, #tpu.memory_space<vmem>>
        %get3A_253 = tpu.memref_squeeze %get3A_252 : memref<1x64x512xf32, #tpu.memory_space<vmem>> -> memref<64x512xf32, #tpu.memory_space<vmem>>
        %get3A_254 = arith.index_cast %add3A_249 : i32 to index
        %get3A_255 = arith.index_cast %mul3A_178 : i32 to index
        %get3A_256 = tpu.vector_load %get3A_253[%get3A_254, %get3A_255] {strides = array<i32>} : memref<64x512xf32, #tpu.memory_space<vmem>>, vector<1x16xf32>,
        %get3A_257 = vector.shape_cast %get3A_256 : vector<1x16xf32> to vector<16xf32>
        %add3A_258 = arith.constant 8 : i32
        %add3A_259 = arith.addi %mul3A_166, %add3A_258 : i32
        %get3A_260 = arith.constant 0 : i32
        %get3A_261 = arith.constant 0 : i32
        %get3A_262 = tpu.memref_slice %arg4[%scan3A_48, %get3A_260, %get3A_261] : memref<2x64x512xf32, #tpu.memory_space<vmem>> -> memref<1x64x512xf32, #tpu.memory_space<vmem>>
        %get3A_263 = tpu.memref_squeeze %get3A_262 : memref<1x64x512xf32, #tpu.memory_space<vmem>> -> memref<64x512xf32, #tpu.memory_space<vmem>>
        %get3A_264 = arith.index_cast %add3A_259 : i32 to index
        %get3A_265 = arith.index_cast %mul3A_178 : i32 to index
        %get3A_266 = tpu.vector_load %get3A_263[%get3A_264, %get3A_265] {strides = array<i32>} : memref<64x512xf32, #tpu.memory_space<vmem>>, vector<1x16xf32>,
        %get3A_267 = vector.shape_cast %get3A_266 : vector<1x16xf32> to vector<16xf32>
        %add3A_268 = arith.constant 9 : i32
        %add3A_269 = arith.addi %mul3A_166, %add3A_268 : i32
        %get3A_270 = arith.constant 0 : i32
        %get3A_271 = arith.constant 0 : i32
        %get3A_272 = tpu.memref_slice %arg4[%scan3A_48, %get3A_270, %get3A_271] : memref<2x64x512xf32, #tpu.memory_space<vmem>> -> memref<1x64x512xf32, #tpu.memory_space<vmem>>
        %get3A_273 = tpu.memref_squeeze %get3A_272 : memref<1x64x512xf32, #tpu.memory_space<vmem>> -> memref<64x512xf32, #tpu.memory_space<vmem>>
        %get3A_274 = arith.index_cast %add3A_269 : i32 to index
        %get3A_275 = arith.index_cast %mul3A_178 : i32 to index
        %get3A_276 = tpu.vector_load %get3A_273[%get3A_274, %get3A_275] {strides = array<i32>} : memref<64x512xf32, #tpu.memory_space<vmem>>, vector<1x16xf32>,
        %get3A_277 = vector.shape_cast %get3A_276 : vector<1x16xf32> to vector<16xf32>
        %add3A_278 = arith.constant 10 : i32
        %add3A_279 = arith.addi %mul3A_166, %add3A_278 : i32
        %get3A_280 = arith.constant 0 : i32
        %get3A_281 = arith.constant 0 : i32
        %get3A_282 = tpu.memref_slice %arg4[%scan3A_48, %get3A_280, %get3A_281] : memref<2x64x512xf32, #tpu.memory_space<vmem>> -> memref<1x64x512xf32, #tpu.memory_space<vmem>>
        %get3A_283 = tpu.memref_squeeze %get3A_282 : memref<1x64x512xf32, #tpu.memory_space<vmem>> -> memref<64x512xf32, #tpu.memory_space<vmem>>
        %get3A_284 = arith.index_cast %add3A_279 : i32 to index
        %get3A_285 = arith.index_cast %mul3A_178 : i32 to index
        %get3A_286 = tpu.vector_load %get3A_283[%get3A_284, %get3A_285] {strides = array<i32>} : memref<64x512xf32, #tpu.memory_space<vmem>>, vector<1x16xf32>,
        %get3A_287 = vector.shape_cast %get3A_286 : vector<1x16xf32> to vector<16xf32>
        %add3A_288 = arith.constant 11 : i32
        %add3A_289 = arith.addi %mul3A_166, %add3A_288 : i32
        %get3A_290 = arith.constant 0 : i32
        %get3A_291 = arith.constant 0 : i32
        %get3A_292 = tpu.memref_slice %arg4[%scan3A_48, %get3A_290, %get3A_291] : memref<2x64x512xf32, #tpu.memory_space<vmem>> -> memref<1x64x512xf32, #tpu.memory_space<vmem>>
        %get3A_293 = tpu.memref_squeeze %get3A_292 : memref<1x64x512xf32, #tpu.memory_space<vmem>> -> memref<64x512xf32, #tpu.memory_space<vmem>>
        %get3A_294 = arith.index_cast %add3A_289 : i32 to index
        %get3A_295 = arith.index_cast %mul3A_178 : i32 to index
        %get3A_296 = tpu.vector_load %get3A_293[%get3A_294, %get3A_295] {strides = array<i32>} : memref<64x512xf32, #tpu.memory_space<vmem>>, vector<1x16xf32>,
        %get3A_297 = vector.shape_cast %get3A_296 : vector<1x16xf32> to vector<16xf32>
        %add3A_298 = arith.constant 12 : i32
        %add3A_299 = arith.addi %mul3A_166, %add3A_298 : i32
        %get3A_300 = arith.constant 0 : i32
        %get3A_301 = arith.constant 0 : i32
        %get3A_302 = tpu.memref_slice %arg4[%scan3A_48, %get3A_300, %get3A_301] : memref<2x64x512xf32, #tpu.memory_space<vmem>> -> memref<1x64x512xf32, #tpu.memory_space<vmem>>
        %get3A_303 = tpu.memref_squeeze %get3A_302 : memref<1x64x512xf32, #tpu.memory_space<vmem>> -> memref<64x512xf32, #tpu.memory_space<vmem>>
        %get3A_304 = arith.index_cast %add3A_299 : i32 to index
        %get3A_305 = arith.index_cast %mul3A_178 : i32 to index
        %get3A_306 = tpu.vector_load %get3A_303[%get3A_304, %get3A_305] {strides = array<i32>} : memref<64x512xf32, #tpu.memory_space<vmem>>, vector<1x16xf32>,
        %get3A_307 = vector.shape_cast %get3A_306 : vector<1x16xf32> to vector<16xf32>
        %add3A_308 = arith.constant 13 : i32
        %add3A_309 = arith.addi %mul3A_166, %add3A_308 : i32
        %get3A_310 = arith.constant 0 : i32
        %get3A_311 = arith.constant 0 : i32
        %get3A_312 = tpu.memref_slice %arg4[%scan3A_48, %get3A_310, %get3A_311] : memref<2x64x512xf32, #tpu.memory_space<vmem>> -> memref<1x64x512xf32, #tpu.memory_space<vmem>>
        %get3A_313 = tpu.memref_squeeze %get3A_312 : memref<1x64x512xf32, #tpu.memory_space<vmem>> -> memref<64x512xf32, #tpu.memory_space<vmem>>
        %get3A_314 = arith.index_cast %add3A_309 : i32 to index
        %get3A_315 = arith.index_cast %mul3A_178 : i32 to index
        %get3A_316 = tpu.vector_load %get3A_313[%get3A_314, %get3A_315] {strides = array<i32>} : memref<64x512xf32, #tpu.memory_space<vmem>>, vector<1x16xf32>,
        %get3A_317 = vector.shape_cast %get3A_316 : vector<1x16xf32> to vector<16xf32>
        %add3A_318 = arith.constant 14 : i32
        %add3A_319 = arith.addi %mul3A_166, %add3A_318 : i32
        %get3A_320 = arith.constant 0 : i32
        %get3A_321 = arith.constant 0 : i32
        %get3A_322 = tpu.memref_slice %arg4[%scan3A_48, %get3A_320, %get3A_321] : memref<2x64x512xf32, #tpu.memory_space<vmem>> -> memref<1x64x512xf32, #tpu.memory_space<vmem>>
        %get3A_323 = tpu.memref_squeeze %get3A_322 : memref<1x64x512xf32, #tpu.memory_space<vmem>> -> memref<64x512xf32, #tpu.memory_space<vmem>>
        %get3A_324 = arith.index_cast %add3A_319 : i32 to index
        %get3A_325 = arith.index_cast %mul3A_178 : i32 to index
        %get3A_326 = tpu.vector_load %get3A_323[%get3A_324, %get3A_325] {strides = array<i32>} : memref<64x512xf32, #tpu.memory_space<vmem>>, vector<1x16xf32>,
        %get3A_327 = vector.shape_cast %get3A_326 : vector<1x16xf32> to vector<16xf32>
        %add3A_328 = arith.constant 15 : i32
        %add3A_329 = arith.addi %mul3A_166, %add3A_328 : i32
        %get3A_330 = arith.constant 0 : i32
        %get3A_331 = arith.constant 0 : i32
        %get3A_332 = tpu.memref_slice %arg4[%scan3A_48, %get3A_330, %get3A_331] : memref<2x64x512xf32, #tpu.memory_space<vmem>> -> memref<1x64x512xf32, #tpu.memory_space<vmem>>
        %get3A_333 = tpu.memref_squeeze %get3A_332 : memref<1x64x512xf32, #tpu.memory_space<vmem>> -> memref<64x512xf32, #tpu.memory_space<vmem>>
        %get3A_334 = arith.index_cast %add3A_329 : i32 to index
        %get3A_335 = arith.index_cast %mul3A_178 : i32 to index
        %get3A_336 = tpu.vector_load %get3A_333[%get3A_334, %get3A_335] {strides = array<i32>} : memref<64x512xf32, #tpu.memory_space<vmem>>, vector<1x16xf32>,
        %get3A_337 = vector.shape_cast %get3A_336 : vector<1x16xf32> to vector<16xf32>
        %mul3A_338 = vector.broadcast %select_n3A_161 : f32 to vector<16xf32>
        %mul3A_339 = arith.mulf %get3A_337, %mul3A_338 : vector<16xf32>
        %add3A_340 = arith.addf %get3A_187, %get3A_197 : vector<16xf32>
        %add3A_341 = arith.addf %get3A_207, %get3A_217 : vector<16xf32>
        %add3A_342 = arith.addf %get3A_227, %get3A_237 : vector<16xf32>
        %add3A_343 = arith.addf %get3A_247, %get3A_257 : vector<16xf32>
        %add3A_344 = arith.addf %get3A_267, %get3A_277 : vector<16xf32>
        %add3A_345 = arith.addf %get3A_287, %get3A_297 : vector<16xf32>
        %add3A_346 = arith.addf %get3A_307, %get3A_317 : vector<16xf32>
        %add3A_347 = arith.addf %get3A_327, %mul3A_339 : vector<16xf32>
        %add3A_348 = arith.addf %add3A_340, %add3A_341 : vector<16xf32>
        %add3A_349 = arith.addf %add3A_342, %add3A_343 : vector<16xf32>
        %add3A_350 = arith.addf %add3A_344, %add3A_345 : vector<16xf32>
        %add3A_351 = arith.addf %add3A_346, %add3A_347 : vector<16xf32>
        %add3A_352 = arith.addf %add3A_348, %add3A_349 : vector<16xf32>
        %add3A_353 = arith.addf %add3A_350, %add3A_351 : vector<16xf32>
        %add3A_354 = arith.addf %add3A_352, %add3A_353 : vector<16xf32>
        %mul3A_355 = vector.broadcast %select_n3A_164 : f32 to vector<16xf32>
        %mul3A_356 = arith.mulf %add3A_354, %mul3A_355 : vector<16xf32>
        %swap3A = arith.index_cast %add3A_146 : i32 to index
        %swap3A_357 = arith.index_cast %mul3A_178 : i32 to index
        %swap3A_358 = tpu.vector_load %arg5[%swap3A, %swap3A_357] {strides = array<i32>} : memref<16x512xf32, #tpu.memory_space<vmem>>, vector<1x16xf32>,
        %swap3A_359 = vector.shape_cast %swap3A_358 : vector<1x16xf32> to vector<16xf32>
        %swap3A_360 = vector.shape_cast %mul3A_356 : vector<16xf32> to vector<1x16xf32>
        tpu.vector_store %arg5[%swap3A, %swap3A_357], %swap3A_360 {strides = array<i32>} : memref<16x512xf32, #tpu.memory_space<vmem>>, vector<1x16xf32>,
        %mul3A_361 = arith.constant 2 : i32
        %mul3A_362 = arith.muli %scan3A_172, %mul3A_361 : i32
        %add3A_363 = arith.constant 1 : i32
        %add3A_364 = arith.addi %mul3A_362, %add3A_363 : i32
        %mul3A_365 = arith.constant 16 : i32
        %mul3A_366 = arith.muli %add3A_364, %mul3A_365 : i32
        %add3A_367 = arith.constant 0 : i32
        %add3A_368 = arith.addi %mul3A_166, %add3A_367 : i32
        %get3A_369 = arith.constant 0 : i32
        %get3A_370 = arith.constant 0 : i32
        %get3A_371 = tpu.memref_slice %arg4[%scan3A_48, %get3A_369, %get3A_370] : memref<2x64x512xf32, #tpu.memory_space<vmem>> -> memref<1x64x512xf32, #tpu.memory_space<vmem>>
        %get3A_372 = tpu.memref_squeeze %get3A_371 : memref<1x64x512xf32, #tpu.memory_space<vmem>> -> memref<64x512xf32, #tpu.memory_space<vmem>>
        %get3A_373 = arith.index_cast %add3A_368 : i32 to index
        %get3A_374 = arith.index_cast %mul3A_366 : i32 to index
        %get3A_375 = tpu.vector_load %get3A_372[%get3A_373, %get3A_374] {strides = array<i32>} : memref<64x512xf32, #tpu.memory_space<vmem>>, vector<1x16xf32>,
        %get3A_376 = vector.shape_cast %get3A_375 : vector<1x16xf32> to vector<16xf32>
        %add3A_377 = arith.constant 1 : i32
        %add3A_378 = arith.addi %mul3A_166, %add3A_377 : i32
        %get3A_379 = arith.constant 0 : i32
        %get3A_380 = arith.constant 0 : i32
        %get3A_381 = tpu.memref_slice %arg4[%scan3A_48, %get3A_379, %get3A_380] : memref<2x64x512xf32, #tpu.memory_space<vmem>> -> memref<1x64x512xf32, #tpu.memory_space<vmem>>
        %get3A_382 = tpu.memref_squeeze %get3A_381 : memref<1x64x512xf32, #tpu.memory_space<vmem>> -> memref<64x512xf32, #tpu.memory_space<vmem>>
        %get3A_383 = arith.index_cast %add3A_378 : i32 to index
        %get3A_384 = arith.index_cast %mul3A_366 : i32 to index
        %get3A_385 = tpu.vector_load %get3A_382[%get3A_383, %get3A_384] {strides = array<i32>} : memref<64x512xf32, #tpu.memory_space<vmem>>, vector<1x16xf32>,
        %get3A_386 = vector.shape_cast %get3A_385 : vector<1x16xf32> to vector<16xf32>
        %add3A_387 = arith.constant 2 : i32
        %add3A_388 = arith.addi %mul3A_166, %add3A_387 : i32
        %get3A_389 = arith.constant 0 : i32
        %get3A_390 = arith.constant 0 : i32
        %get3A_391 = tpu.memref_slice %arg4[%scan3A_48, %get3A_389, %get3A_390] : memref<2x64x512xf32, #tpu.memory_space<vmem>> -> memref<1x64x512xf32, #tpu.memory_space<vmem>>
        %get3A_392 = tpu.memref_squeeze %get3A_391 : memref<1x64x512xf32, #tpu.memory_space<vmem>> -> memref<64x512xf32, #tpu.memory_space<vmem>>
        %get3A_393 = arith.index_cast %add3A_388 : i32 to index
        %get3A_394 = arith.index_cast %mul3A_366 : i32 to index
        %get3A_395 = tpu.vector_load %get3A_392[%get3A_393, %get3A_394] {strides = array<i32>} : memref<64x512xf32, #tpu.memory_space<vmem>>, vector<1x16xf32>,
        %get3A_396 = vector.shape_cast %get3A_395 : vector<1x16xf32> to vector<16xf32>
        %add3A_397 = arith.constant 3 : i32
        %add3A_398 = arith.addi %mul3A_166, %add3A_397 : i32
        %get3A_399 = arith.constant 0 : i32
        %get3A_400 = arith.constant 0 : i32
        %get3A_401 = tpu.memref_slice %arg4[%scan3A_48, %get3A_399, %get3A_400] : memref<2x64x512xf32, #tpu.memory_space<vmem>> -> memref<1x64x512xf32, #tpu.memory_space<vmem>>
        %get3A_402 = tpu.memref_squeeze %get3A_401 : memref<1x64x512xf32, #tpu.memory_space<vmem>> -> memref<64x512xf32, #tpu.memory_space<vmem>>
        %get3A_403 = arith.index_cast %add3A_398 : i32 to index
        %get3A_404 = arith.index_cast %mul3A_366 : i32 to index
        %get3A_405 = tpu.vector_load %get3A_402[%get3A_403, %get3A_404] {strides = array<i32>} : memref<64x512xf32, #tpu.memory_space<vmem>>, vector<1x16xf32>,
        %get3A_406 = vector.shape_cast %get3A_405 : vector<1x16xf32> to vector<16xf32>
        %add3A_407 = arith.constant 4 : i32
        %add3A_408 = arith.addi %mul3A_166, %add3A_407 : i32
        %get3A_409 = arith.constant 0 : i32
        %get3A_410 = arith.constant 0 : i32
        %get3A_411 = tpu.memref_slice %arg4[%scan3A_48, %get3A_409, %get3A_410] : memref<2x64x512xf32, #tpu.memory_space<vmem>> -> memref<1x64x512xf32, #tpu.memory_space<vmem>>
        %get3A_412 = tpu.memref_squeeze %get3A_411 : memref<1x64x512xf32, #tpu.memory_space<vmem>> -> memref<64x512xf32, #tpu.memory_space<vmem>>
        %get3A_413 = arith.index_cast %add3A_408 : i32 to index
        %get3A_414 = arith.index_cast %mul3A_366 : i32 to index
        %get3A_415 = tpu.vector_load %get3A_412[%get3A_413, %get3A_414] {strides = array<i32>} : memref<64x512xf32, #tpu.memory_space<vmem>>, vector<1x16xf32>,
        %get3A_416 = vector.shape_cast %get3A_415 : vector<1x16xf32> to vector<16xf32>
        %add3A_417 = arith.constant 5 : i32
        %add3A_418 = arith.addi %mul3A_166, %add3A_417 : i32
        %get3A_419 = arith.constant 0 : i32
        %get3A_420 = arith.constant 0 : i32
        %get3A_421 = tpu.memref_slice %arg4[%scan3A_48, %get3A_419, %get3A_420] : memref<2x64x512xf32, #tpu.memory_space<vmem>> -> memref<1x64x512xf32, #tpu.memory_space<vmem>>
        %get3A_422 = tpu.memref_squeeze %get3A_421 : memref<1x64x512xf32, #tpu.memory_space<vmem>> -> memref<64x512xf32, #tpu.memory_space<vmem>>
        %get3A_423 = arith.index_cast %add3A_418 : i32 to index
        %get3A_424 = arith.index_cast %mul3A_366 : i32 to index
        %get3A_425 = tpu.vector_load %get3A_422[%get3A_423, %get3A_424] {strides = array<i32>} : memref<64x512xf32, #tpu.memory_space<vmem>>, vector<1x16xf32>,
        %get3A_426 = vector.shape_cast %get3A_425 : vector<1x16xf32> to vector<16xf32>
        %add3A_427 = arith.constant 6 : i32
        %add3A_428 = arith.addi %mul3A_166, %add3A_427 : i32
        %get3A_429 = arith.constant 0 : i32
        %get3A_430 = arith.constant 0 : i32
        %get3A_431 = tpu.memref_slice %arg4[%scan3A_48, %get3A_429, %get3A_430] : memref<2x64x512xf32, #tpu.memory_space<vmem>> -> memref<1x64x512xf32, #tpu.memory_space<vmem>>
        %get3A_432 = tpu.memref_squeeze %get3A_431 : memref<1x64x512xf32, #tpu.memory_space<vmem>> -> memref<64x512xf32, #tpu.memory_space<vmem>>
        %get3A_433 = arith.index_cast %add3A_428 : i32 to index
        %get3A_434 = arith.index_cast %mul3A_366 : i32 to index
        %get3A_435 = tpu.vector_load %get3A_432[%get3A_433, %get3A_434] {strides = array<i32>} : memref<64x512xf32, #tpu.memory_space<vmem>>, vector<1x16xf32>,
        %get3A_436 = vector.shape_cast %get3A_435 : vector<1x16xf32> to vector<16xf32>
        %add3A_437 = arith.constant 7 : i32
        %add3A_438 = arith.addi %mul3A_166, %add3A_437 : i32
        %get3A_439 = arith.constant 0 : i32
        %get3A_440 = arith.constant 0 : i32
        %get3A_441 = tpu.memref_slice %arg4[%scan3A_48, %get3A_439, %get3A_440] : memref<2x64x512xf32, #tpu.memory_space<vmem>> -> memref<1x64x512xf32, #tpu.memory_space<vmem>>
        %get3A_442 = tpu.memref_squeeze %get3A_441 : memref<1x64x512xf32, #tpu.memory_space<vmem>> -> memref<64x512xf32, #tpu.memory_space<vmem>>
        %get3A_443 = arith.index_cast %add3A_438 : i32 to index
        %get3A_444 = arith.index_cast %mul3A_366 : i32 to index
        %get3A_445 = tpu.vector_load %get3A_442[%get3A_443, %get3A_444] {strides = array<i32>} : memref<64x512xf32, #tpu.memory_space<vmem>>, vector<1x16xf32>,
        %get3A_446 = vector.shape_cast %get3A_445 : vector<1x16xf32> to vector<16xf32>
        %add3A_447 = arith.constant 8 : i32
        %add3A_448 = arith.addi %mul3A_166, %add3A_447 : i32
        %get3A_449 = arith.constant 0 : i32
        %get3A_450 = arith.constant 0 : i32
        %get3A_451 = tpu.memref_slice %arg4[%scan3A_48, %get3A_449, %get3A_450] : memref<2x64x512xf32, #tpu.memory_space<vmem>> -> memref<1x64x512xf32, #tpu.memory_space<vmem>>
        %get3A_452 = tpu.memref_squeeze %get3A_451 : memref<1x64x512xf32, #tpu.memory_space<vmem>> -> memref<64x512xf32, #tpu.memory_space<vmem>>
        %get3A_453 = arith.index_cast %add3A_448 : i32 to index
        %get3A_454 = arith.index_cast %mul3A_366 : i32 to index
        %get3A_455 = tpu.vector_load %get3A_452[%get3A_453, %get3A_454] {strides = array<i32>} : memref<64x512xf32, #tpu.memory_space<vmem>>, vector<1x16xf32>,
        %get3A_456 = vector.shape_cast %get3A_455 : vector<1x16xf32> to vector<16xf32>
        %add3A_457 = arith.constant 9 : i32
        %add3A_458 = arith.addi %mul3A_166, %add3A_457 : i32
        %get3A_459 = arith.constant 0 : i32
        %get3A_460 = arith.constant 0 : i32
        %get3A_461 = tpu.memref_slice %arg4[%scan3A_48, %get3A_459, %get3A_460] : memref<2x64x512xf32, #tpu.memory_space<vmem>> -> memref<1x64x512xf32, #tpu.memory_space<vmem>>
        %get3A_462 = tpu.memref_squeeze %get3A_461 : memref<1x64x512xf32, #tpu.memory_space<vmem>> -> memref<64x512xf32, #tpu.memory_space<vmem>>
        %get3A_463 = arith.index_cast %add3A_458 : i32 to index
        %get3A_464 = arith.index_cast %mul3A_366 : i32 to index
        %get3A_465 = tpu.vector_load %get3A_462[%get3A_463, %get3A_464] {strides = array<i32>} : memref<64x512xf32, #tpu.memory_space<vmem>>, vector<1x16xf32>,
        %get3A_466 = vector.shape_cast %get3A_465 : vector<1x16xf32> to vector<16xf32>
        %add3A_467 = arith.constant 10 : i32
        %add3A_468 = arith.addi %mul3A_166, %add3A_467 : i32
        %get3A_469 = arith.constant 0 : i32
        %get3A_470 = arith.constant 0 : i32
        %get3A_471 = tpu.memref_slice %arg4[%scan3A_48, %get3A_469, %get3A_470] : memref<2x64x512xf32, #tpu.memory_space<vmem>> -> memref<1x64x512xf32, #tpu.memory_space<vmem>>
        %get3A_472 = tpu.memref_squeeze %get3A_471 : memref<1x64x512xf32, #tpu.memory_space<vmem>> -> memref<64x512xf32, #tpu.memory_space<vmem>>
        %get3A_473 = arith.index_cast %add3A_468 : i32 to index
        %get3A_474 = arith.index_cast %mul3A_366 : i32 to index
        %get3A_475 = tpu.vector_load %get3A_472[%get3A_473, %get3A_474] {strides = array<i32>} : memref<64x512xf32, #tpu.memory_space<vmem>>, vector<1x16xf32>,
        %get3A_476 = vector.shape_cast %get3A_475 : vector<1x16xf32> to vector<16xf32>
        %add3A_477 = arith.constant 11 : i32
        %add3A_478 = arith.addi %mul3A_166, %add3A_477 : i32
        %get3A_479 = arith.constant 0 : i32
        %get3A_480 = arith.constant 0 : i32
        %get3A_481 = tpu.memref_slice %arg4[%scan3A_48, %get3A_479, %get3A_480] : memref<2x64x512xf32, #tpu.memory_space<vmem>> -> memref<1x64x512xf32, #tpu.memory_space<vmem>>
        %get3A_482 = tpu.memref_squeeze %get3A_481 : memref<1x64x512xf32, #tpu.memory_space<vmem>> -> memref<64x512xf32, #tpu.memory_space<vmem>>
        %get3A_483 = arith.index_cast %add3A_478 : i32 to index
        %get3A_484 = arith.index_cast %mul3A_366 : i32 to index
        %get3A_485 = tpu.vector_load %get3A_482[%get3A_483, %get3A_484] {strides = array<i32>} : memref<64x512xf32, #tpu.memory_space<vmem>>, vector<1x16xf32>,
        %get3A_486 = vector.shape_cast %get3A_485 : vector<1x16xf32> to vector<16xf32>
        %add3A_487 = arith.constant 12 : i32
        %add3A_488 = arith.addi %mul3A_166, %add3A_487 : i32
        %get3A_489 = arith.constant 0 : i32
        %get3A_490 = arith.constant 0 : i32
        %get3A_491 = tpu.memref_slice %arg4[%scan3A_48, %get3A_489, %get3A_490] : memref<2x64x512xf32, #tpu.memory_space<vmem>> -> memref<1x64x512xf32, #tpu.memory_space<vmem>>
        %get3A_492 = tpu.memref_squeeze %get3A_491 : memref<1x64x512xf32, #tpu.memory_space<vmem>> -> memref<64x512xf32, #tpu.memory_space<vmem>>
        %get3A_493 = arith.index_cast %add3A_488 : i32 to index
        %get3A_494 = arith.index_cast %mul3A_366 : i32 to index
        %get3A_495 = tpu.vector_load %get3A_492[%get3A_493, %get3A_494] {strides = array<i32>} : memref<64x512xf32, #tpu.memory_space<vmem>>, vector<1x16xf32>,
        %get3A_496 = vector.shape_cast %get3A_495 : vector<1x16xf32> to vector<16xf32>
        %add3A_497 = arith.constant 13 : i32
        %add3A_498 = arith.addi %mul3A_166, %add3A_497 : i32
        %get3A_499 = arith.constant 0 : i32
        %get3A_500 = arith.constant 0 : i32
        %get3A_501 = tpu.memref_slice %arg4[%scan3A_48, %get3A_499, %get3A_500] : memref<2x64x512xf32, #tpu.memory_space<vmem>> -> memref<1x64x512xf32, #tpu.memory_space<vmem>>
        %get3A_502 = tpu.memref_squeeze %get3A_501 : memref<1x64x512xf32, #tpu.memory_space<vmem>> -> memref<64x512xf32, #tpu.memory_space<vmem>>
        %get3A_503 = arith.index_cast %add3A_498 : i32 to index
        %get3A_504 = arith.index_cast %mul3A_366 : i32 to index
        %get3A_505 = tpu.vector_load %get3A_502[%get3A_503, %get3A_504] {strides = array<i32>} : memref<64x512xf32, #tpu.memory_space<vmem>>, vector<1x16xf32>,
        %get3A_506 = vector.shape_cast %get3A_505 : vector<1x16xf32> to vector<16xf32>
        %add3A_507 = arith.constant 14 : i32
        %add3A_508 = arith.addi %mul3A_166, %add3A_507 : i32
        %get3A_509 = arith.constant 0 : i32
        %get3A_510 = arith.constant 0 : i32
        %get3A_511 = tpu.memref_slice %arg4[%scan3A_48, %get3A_509, %get3A_510] : memref<2x64x512xf32, #tpu.memory_space<vmem>> -> memref<1x64x512xf32, #tpu.memory_space<vmem>>
        %get3A_512 = tpu.memref_squeeze %get3A_511 : memref<1x64x512xf32, #tpu.memory_space<vmem>> -> memref<64x512xf32, #tpu.memory_space<vmem>>
        %get3A_513 = arith.index_cast %add3A_508 : i32 to index
        %get3A_514 = arith.index_cast %mul3A_366 : i32 to index
        %get3A_515 = tpu.vector_load %get3A_512[%get3A_513, %get3A_514] {strides = array<i32>} : memref<64x512xf32, #tpu.memory_space<vmem>>, vector<1x16xf32>,
        %get3A_516 = vector.shape_cast %get3A_515 : vector<1x16xf32> to vector<16xf32>
        %add3A_517 = arith.constant 15 : i32
        %add3A_518 = arith.addi %mul3A_166, %add3A_517 : i32
        %get3A_519 = arith.constant 0 : i32
        %get3A_520 = arith.constant 0 : i32
        %get3A_521 = tpu.memref_slice %arg4[%scan3A_48, %get3A_519, %get3A_520] : memref<2x64x512xf32, #tpu.memory_space<vmem>> -> memref<1x64x512xf32, #tpu.memory_space<vmem>>
        %get3A_522 = tpu.memref_squeeze %get3A_521 : memref<1x64x512xf32, #tpu.memory_space<vmem>> -> memref<64x512xf32, #tpu.memory_space<vmem>>
        %get3A_523 = arith.index_cast %add3A_518 : i32 to index
        %get3A_524 = arith.index_cast %mul3A_366 : i32 to index
        %get3A_525 = tpu.vector_load %get3A_522[%get3A_523, %get3A_524] {strides = array<i32>} : memref<64x512xf32, #tpu.memory_space<vmem>>, vector<1x16xf32>,
        %get3A_526 = vector.shape_cast %get3A_525 : vector<1x16xf32> to vector<16xf32>
        %mul3A_527 = vector.broadcast %select_n3A_161 : f32 to vector<16xf32>
        %mul3A_528 = arith.mulf %get3A_526, %mul3A_527 : vector<16xf32>
        %add3A_529 = arith.addf %get3A_376, %get3A_386 : vector<16xf32>
        %add3A_530 = arith.addf %get3A_396, %get3A_406 : vector<16xf32>
        %add3A_531 = arith.addf %get3A_416, %get3A_426 : vector<16xf32>
        %add3A_532 = arith.addf %get3A_436, %get3A_446 : vector<16xf32>
        %add3A_533 = arith.addf %get3A_456, %get3A_466 : vector<16xf32>
        %add3A_534 = arith.addf %get3A_476, %get3A_486 : vector<16xf32>
        %add3A_535 = arith.addf %get3A_496, %get3A_506 : vector<16xf32>
        %add3A_536 = arith.addf %get3A_516, %mul3A_528 : vector<16xf32>
        %add3A_537 = arith.addf %add3A_529, %add3A_530 : vector<16xf32>
        %add3A_538 = arith.addf %add3A_531, %add3A_532 : vector<16xf32>
        %add3A_539 = arith.addf %add3A_533, %add3A_534 : vector<16xf32>
        %add3A_540 = arith.addf %add3A_535, %add3A_536 : vector<16xf32>
        %add3A_541 = arith.addf %add3A_537, %add3A_538 : vector<16xf32>
        %add3A_542 = arith.addf %add3A_539, %add3A_540 : vector<16xf32>
        %add3A_543 = arith.addf %add3A_541, %add3A_542 : vector<16xf32>
        %mul3A_544 = vector.broadcast %select_n3A_164 : f32 to vector<16xf32>
        %mul3A_545 = arith.mulf %add3A_543, %mul3A_544 : vector<16xf32>
        %swap3A_546 = arith.index_cast %add3A_146 : i32 to index
        %swap3A_547 = arith.index_cast %mul3A_366 : i32 to index
        %swap3A_548 = tpu.vector_load %arg5[%swap3A_546, %swap3A_547] {strides = array<i32>} : memref<16x512xf32, #tpu.memory_space<vmem>>, vector<1x16xf32>,
        %swap3A_549 = vector.shape_cast %swap3A_548 : vector<1x16xf32> to vector<16xf32>
        %swap3A_550 = vector.shape_cast %mul3A_545 : vector<16xf32> to vector<1x16xf32>
        tpu.vector_store %arg5[%swap3A_546, %swap3A_547], %swap3A_550 {strides = array<i32>} : memref<16x512xf32, #tpu.memory_space<vmem>>, vector<1x16xf32>,
      }
      %scan3A_171 = arith.constant 16 : i32
    }
    %scan3A_53 = arith.constant 4 : i32
    %dma_wait3A_54 = arith.constant 1 : i32
    %dma_wait3A_55 = arith.constant 0 : i32
    %dma_wait3A_56 = arith.constant 0 : i32
    %dma_wait3A_57 = tpu.memref_slice %arg4[%dma_wait3A_54, %dma_wait3A_55, %dma_wait3A_56] : memref<2x64x512xf32, #tpu.memory_space<vmem>> -> memref<1x64x512xf32, #tpu.memory_space<vmem>>
    %dma_wait3A_58 = tpu.memref_squeeze %dma_wait3A_57 : memref<1x64x512xf32, #tpu.memory_space<vmem>> -> memref<64x512xf32, #tpu.memory_space<vmem>>
    %dma_wait3A_59 = arith.constant 0 : i32
    %dma_wait3A_60 = tpu.memref_slice %arg2[%add3A_34, %dma_wait3A_59] : memref<32768x512xf32, #tpu.memory_space<hbm>> -> memref<64x512xf32, #tpu.memory_space<hbm>>
    %dma_wait3A_61 = arith.constant 0 : i32
    %dma_wait3A_62 = arith.constant 0 : i32
    %dma_wait3A_63 = tpu.memref_slice %arg4[%dma_wait3A_54, %dma_wait3A_61, %dma_wait3A_62] : memref<2x64x512xf32, #tpu.memory_space<vmem>> -> memref<1x64x512xf32, #tpu.memory_space<vmem>>
    %dma_wait3A_64 = tpu.memref_squeeze %dma_wait3A_63 : memref<1x64x512xf32, #tpu.memory_space<vmem>> -> memref<64x512xf32, #tpu.memory_space<vmem>>
    %dma_wait3A_65 = arith.constant 0 : i32
    %dma_wait3A_66 = tpu.memref_slice %arg2[%add3A_34, %dma_wait3A_65] : memref<32768x512xf32, #tpu.memory_space<hbm>> -> memref<64x512xf32, #tpu.memory_space<hbm>>
    tpu.wait_dma2 semaphore(%arg7 : memref<!tpu.dma_semaphore, #tpu.memory_space<semaphore_mem>>) src(%dma_wait3A_66 : memref<64x512xf32, #tpu.memory_space<hbm>>) dst(%dma_wait3A_64 : memref<64x512xf32, #tpu.memory_space<vmem>>)
    %add3A_67 = arith.constant 128 : i32
    %add3A_68 = arith.addi %add3A_6, %add3A_67 : i32
    %dma_start3A_69 = arith.constant 0 : i32
    %dma_start3A_70 = arith.constant 0 : i32
    %dma_start3A_71 = arith.constant 0 : i32
    %dma_start3A_72 = tpu.memref_slice %arg4[%dma_start3A_69, %dma_start3A_70, %dma_start3A_71] : memref<2x64x512xf32, #tpu.memory_space<vmem>> -> memref<1x64x512xf32, #tpu.memory_space<vmem>>
    %dma_start3A_73 = tpu.memref_squeeze %dma_start3A_72 : memref<1x64x512xf32, #tpu.memory_space<vmem>> -> memref<64x512xf32, #tpu.memory_space<vmem>>
    %dma_start3A_74 = arith.constant 0 : i32
    %dma_start3A_75 = tpu.memref_slice %arg2[%add3A_68, %dma_start3A_74] : memref<32768x512xf32, #tpu.memory_space<hbm>> -> memref<64x512xf32, #tpu.memory_space<hbm>>
    %dma_start3A_76 = arith.constant 0 : i32
    %dma_start3A_77 = arith.constant 0 : i32
    %dma_start3A_78 = tpu.memref_slice %arg4[%dma_start3A_69, %dma_start3A_76, %dma_start3A_77] : memref<2x64x512xf32, #tpu.memory_space<vmem>> -> memref<1x64x512xf32, #tpu.memory_space<vmem>>
    %dma_start3A_79 = tpu.memref_squeeze %dma_start3A_78 : memref<1x64x512xf32, #tpu.memory_space<vmem>> -> memref<64x512xf32, #tpu.memory_space<vmem>>
    %dma_start3A_80 = arith.constant 0 : i32
    %dma_start3A_81 = tpu.memref_slice %arg2[%add3A_68, %dma_start3A_80] : memref<32768x512xf32, #tpu.memory_space<hbm>> -> memref<64x512xf32, #tpu.memory_space<hbm>>
    tpu.enqueue_dma source(%dma_start3A_81 : memref<64x512xf32, #tpu.memory_space<hbm>>) target(%dma_start3A_79 : memref<64x512xf32, #tpu.memory_space<vmem>>) target_semaphore(%arg6 : memref<!tpu.dma_semaphore, #tpu.memory_space<semaphore_mem>>)
    %scan3A_82 = arith.constant 0 : i32
    %scan3A_83 = arith.constant 1 : i32
    %scan3A_84 = arith.constant 0 : i32
    %scan3A_85 = arith.constant 4 : i32
    %scan3A_86 = arith.addi %scan3A_84, %scan3A_85 : i32
    %scan3A_87 = arith.constant 1 : i32
    scf.for %scan3A_144 = %scan3A_84 to %scan3A_86 step %scan3A_87  : i32 {
      %add3A_145 = arith.constant 4 : i32
      %add3A_146 = arith.addi %add3A_145, %scan3A_144 : i32
      %add3A_147 = arith.addi %mul3A_2, %add3A_146 : i32
      %jit3A = arith.constant 128 : i32
      %eq3A = arith.constant 0 : i32
      %eq3A_148 = arith.cmpi eq, %jit3A, %eq3A : i32
      %jit3A_149 = arith.constant 1 : i32
      %select_n3A = arith.select %eq3A_148, %jit3A_149, %jit3A : i32
      %rem3A = arith.remsi %add3A_147, %select_n3A : i32
      %ne3A = arith.constant 0 : i32
      %ne3A_150 = arith.cmpi ne, %rem3A, %ne3A : i32
      %lt3A = arith.constant 0 : i32
      %lt3A_151 = arith.cmpi slt, %rem3A, %lt3A : i32
      %lt3A_152 = arith.constant 0 : i32
      %lt3A_153 = arith.cmpi slt, %select_n3A, %lt3A_152 : i32
      %ne3A_154 = arith.xori %lt3A_151, %lt3A_153 : i1
      %and3A = arith.andi %ne3A_154, %ne3A_150 : i1
      %add3A_155 = arith.addi %rem3A, %select_n3A : i32
      %select_n3A_156 = arith.select %and3A, %add3A_155, %rem3A : i32
      %eq3A_157 = arith.constant 127 : i32
      %eq3A_158 = arith.cmpi eq, %select_n3A_156, %eq3A_157 : i32
      %jit3A_159 = arith.constant 0.000000e+00 : f32
      %jit3A_160 = arith.constant 1.000000e+00 : f32
      %select_n3A_161 = arith.select %eq3A_158, %jit3A_159, %jit3A_160 : f32
      %jit3A_162 = arith.constant 0.0666666701 : f32
      %jit3A_163 = arith.constant 6.250000e-02 : f32
      %select_n3A_164 = arith.select %eq3A_158, %jit3A_162, %jit3A_163 : f32
      %mul3A_165 = arith.constant 16 : i32
      %mul3A_166 = arith.muli %scan3A_144, %mul3A_165 : i32
      %scan3A_167 = arith.constant 0 : i32
      %scan3A_168 = arith.constant 16 : i32
      %scan3A_169 = arith.addi %scan3A_167, %scan3A_168 : i32
      %scan3A_170 = arith.constant 1 : i32
      scf.for %scan3A_172 = %scan3A_167 to %scan3A_169 step %scan3A_170  : i32 {
        %mul3A_173 = arith.constant 2 : i32
        %mul3A_174 = arith.muli %scan3A_172, %mul3A_173 : i32
        %add3A_175 = arith.constant 0 : i32
        %add3A_176 = arith.addi %mul3A_174, %add3A_175 : i32
        %mul3A_177 = arith.constant 16 : i32
        %mul3A_178 = arith.muli %add3A_176, %mul3A_177 : i32
        %add3A_179 = arith.constant 0 : i32
        %add3A_180 = arith.addi %mul3A_166, %add3A_179 : i32
        %get3A = arith.constant 0 : i32
        %get3A_181 = arith.constant 0 : i32
        %get3A_182 = tpu.memref_slice %arg4[%scan3A_83, %get3A, %get3A_181] : memref<2x64x512xf32, #tpu.memory_space<vmem>> -> memref<1x64x512xf32, #tpu.memory_space<vmem>>
        %get3A_183 = tpu.memref_squeeze %get3A_182 : memref<1x64x512xf32, #tpu.memory_space<vmem>> -> memref<64x512xf32, #tpu.memory_space<vmem>>
        %get3A_184 = arith.index_cast %add3A_180 : i32 to index
        %get3A_185 = arith.index_cast %mul3A_178 : i32 to index
        %get3A_186 = tpu.vector_load %get3A_183[%get3A_184, %get3A_185] {strides = array<i32>} : memref<64x512xf32, #tpu.memory_space<vmem>>, vector<1x16xf32>,
        %get3A_187 = vector.shape_cast %get3A_186 : vector<1x16xf32> to vector<16xf32>
        %add3A_188 = arith.constant 1 : i32
        %add3A_189 = arith.addi %mul3A_166, %add3A_188 : i32
        %get3A_190 = arith.constant 0 : i32
        %get3A_191 = arith.constant 0 : i32
        %get3A_192 = tpu.memref_slice %arg4[%scan3A_83, %get3A_190, %get3A_191] : memref<2x64x512xf32, #tpu.memory_space<vmem>> -> memref<1x64x512xf32, #tpu.memory_space<vmem>>
        %get3A_193 = tpu.memref_squeeze %get3A_192 : memref<1x64x512xf32, #tpu.memory_space<vmem>> -> memref<64x512xf32, #tpu.memory_space<vmem>>
        %get3A_194 = arith.index_cast %add3A_189 : i32 to index
        %get3A_195 = arith.index_cast %mul3A_178 : i32 to index
        %get3A_196 = tpu.vector_load %get3A_193[%get3A_194, %get3A_195] {strides = array<i32>} : memref<64x512xf32, #tpu.memory_space<vmem>>, vector<1x16xf32>,
        %get3A_197 = vector.shape_cast %get3A_196 : vector<1x16xf32> to vector<16xf32>
        %add3A_198 = arith.constant 2 : i32
        %add3A_199 = arith.addi %mul3A_166, %add3A_198 : i32
        %get3A_200 = arith.constant 0 : i32
        %get3A_201 = arith.constant 0 : i32
        %get3A_202 = tpu.memref_slice %arg4[%scan3A_83, %get3A_200, %get3A_201] : memref<2x64x512xf32, #tpu.memory_space<vmem>> -> memref<1x64x512xf32, #tpu.memory_space<vmem>>
        %get3A_203 = tpu.memref_squeeze %get3A_202 : memref<1x64x512xf32, #tpu.memory_space<vmem>> -> memref<64x512xf32, #tpu.memory_space<vmem>>
        %get3A_204 = arith.index_cast %add3A_199 : i32 to index
        %get3A_205 = arith.index_cast %mul3A_178 : i32 to index
        %get3A_206 = tpu.vector_load %get3A_203[%get3A_204, %get3A_205] {strides = array<i32>} : memref<64x512xf32, #tpu.memory_space<vmem>>, vector<1x16xf32>,
        %get3A_207 = vector.shape_cast %get3A_206 : vector<1x16xf32> to vector<16xf32>
        %add3A_208 = arith.constant 3 : i32
        %add3A_209 = arith.addi %mul3A_166, %add3A_208 : i32
        %get3A_210 = arith.constant 0 : i32
        %get3A_211 = arith.constant 0 : i32
        %get3A_212 = tpu.memref_slice %arg4[%scan3A_83, %get3A_210, %get3A_211] : memref<2x64x512xf32, #tpu.memory_space<vmem>> -> memref<1x64x512xf32, #tpu.memory_space<vmem>>
        %get3A_213 = tpu.memref_squeeze %get3A_212 : memref<1x64x512xf32, #tpu.memory_space<vmem>> -> memref<64x512xf32, #tpu.memory_space<vmem>>
        %get3A_214 = arith.index_cast %add3A_209 : i32 to index
        %get3A_215 = arith.index_cast %mul3A_178 : i32 to index
        %get3A_216 = tpu.vector_load %get3A_213[%get3A_214, %get3A_215] {strides = array<i32>} : memref<64x512xf32, #tpu.memory_space<vmem>>, vector<1x16xf32>,
        %get3A_217 = vector.shape_cast %get3A_216 : vector<1x16xf32> to vector<16xf32>
        %add3A_218 = arith.constant 4 : i32
        %add3A_219 = arith.addi %mul3A_166, %add3A_218 : i32
        %get3A_220 = arith.constant 0 : i32
        %get3A_221 = arith.constant 0 : i32
        %get3A_222 = tpu.memref_slice %arg4[%scan3A_83, %get3A_220, %get3A_221] : memref<2x64x512xf32, #tpu.memory_space<vmem>> -> memref<1x64x512xf32, #tpu.memory_space<vmem>>
        %get3A_223 = tpu.memref_squeeze %get3A_222 : memref<1x64x512xf32, #tpu.memory_space<vmem>> -> memref<64x512xf32, #tpu.memory_space<vmem>>
        %get3A_224 = arith.index_cast %add3A_219 : i32 to index
        %get3A_225 = arith.index_cast %mul3A_178 : i32 to index
        %get3A_226 = tpu.vector_load %get3A_223[%get3A_224, %get3A_225] {strides = array<i32>} : memref<64x512xf32, #tpu.memory_space<vmem>>, vector<1x16xf32>,
        %get3A_227 = vector.shape_cast %get3A_226 : vector<1x16xf32> to vector<16xf32>
        %add3A_228 = arith.constant 5 : i32
        %add3A_229 = arith.addi %mul3A_166, %add3A_228 : i32
        %get3A_230 = arith.constant 0 : i32
        %get3A_231 = arith.constant 0 : i32
        %get3A_232 = tpu.memref_slice %arg4[%scan3A_83, %get3A_230, %get3A_231] : memref<2x64x512xf32, #tpu.memory_space<vmem>> -> memref<1x64x512xf32, #tpu.memory_space<vmem>>
        %get3A_233 = tpu.memref_squeeze %get3A_232 : memref<1x64x512xf32, #tpu.memory_space<vmem>> -> memref<64x512xf32, #tpu.memory_space<vmem>>
        %get3A_234 = arith.index_cast %add3A_229 : i32 to index
        %get3A_235 = arith.index_cast %mul3A_178 : i32 to index
        %get3A_236 = tpu.vector_load %get3A_233[%get3A_234, %get3A_235] {strides = array<i32>} : memref<64x512xf32, #tpu.memory_space<vmem>>, vector<1x16xf32>,
        %get3A_237 = vector.shape_cast %get3A_236 : vector<1x16xf32> to vector<16xf32>
        %add3A_238 = arith.constant 6 : i32
        %add3A_239 = arith.addi %mul3A_166, %add3A_238 : i32
        %get3A_240 = arith.constant 0 : i32
        %get3A_241 = arith.constant 0 : i32
        %get3A_242 = tpu.memref_slice %arg4[%scan3A_83, %get3A_240, %get3A_241] : memref<2x64x512xf32, #tpu.memory_space<vmem>> -> memref<1x64x512xf32, #tpu.memory_space<vmem>>
        %get3A_243 = tpu.memref_squeeze %get3A_242 : memref<1x64x512xf32, #tpu.memory_space<vmem>> -> memref<64x512xf32, #tpu.memory_space<vmem>>
        %get3A_244 = arith.index_cast %add3A_239 : i32 to index
        %get3A_245 = arith.index_cast %mul3A_178 : i32 to index
        %get3A_246 = tpu.vector_load %get3A_243[%get3A_244, %get3A_245] {strides = array<i32>} : memref<64x512xf32, #tpu.memory_space<vmem>>, vector<1x16xf32>,
        %get3A_247 = vector.shape_cast %get3A_246 : vector<1x16xf32> to vector<16xf32>
        %add3A_248 = arith.constant 7 : i32
        %add3A_249 = arith.addi %mul3A_166, %add3A_248 : i32
        %get3A_250 = arith.constant 0 : i32
        %get3A_251 = arith.constant 0 : i32
        %get3A_252 = tpu.memref_slice %arg4[%scan3A_83, %get3A_250, %get3A_251] : memref<2x64x512xf32, #tpu.memory_space<vmem>> -> memref<1x64x512xf32, #tpu.memory_space<vmem>>
        %get3A_253 = tpu.memref_squeeze %get3A_252 : memref<1x64x512xf32, #tpu.memory_space<vmem>> -> memref<64x512xf32, #tpu.memory_space<vmem>>
        %get3A_254 = arith.index_cast %add3A_249 : i32 to index
        %get3A_255 = arith.index_cast %mul3A_178 : i32 to index
        %get3A_256 = tpu.vector_load %get3A_253[%get3A_254, %get3A_255] {strides = array<i32>} : memref<64x512xf32, #tpu.memory_space<vmem>>, vector<1x16xf32>,
        %get3A_257 = vector.shape_cast %get3A_256 : vector<1x16xf32> to vector<16xf32>
        %add3A_258 = arith.constant 8 : i32
        %add3A_259 = arith.addi %mul3A_166, %add3A_258 : i32
        %get3A_260 = arith.constant 0 : i32
        %get3A_261 = arith.constant 0 : i32
        %get3A_262 = tpu.memref_slice %arg4[%scan3A_83, %get3A_260, %get3A_261] : memref<2x64x512xf32, #tpu.memory_space<vmem>> -> memref<1x64x512xf32, #tpu.memory_space<vmem>>
        %get3A_263 = tpu.memref_squeeze %get3A_262 : memref<1x64x512xf32, #tpu.memory_space<vmem>> -> memref<64x512xf32, #tpu.memory_space<vmem>>
        %get3A_264 = arith.index_cast %add3A_259 : i32 to index
        %get3A_265 = arith.index_cast %mul3A_178 : i32 to index
        %get3A_266 = tpu.vector_load %get3A_263[%get3A_264, %get3A_265] {strides = array<i32>} : memref<64x512xf32, #tpu.memory_space<vmem>>, vector<1x16xf32>,
        %get3A_267 = vector.shape_cast %get3A_266 : vector<1x16xf32> to vector<16xf32>
        %add3A_268 = arith.constant 9 : i32
        %add3A_269 = arith.addi %mul3A_166, %add3A_268 : i32
        %get3A_270 = arith.constant 0 : i32
        %get3A_271 = arith.constant 0 : i32
        %get3A_272 = tpu.memref_slice %arg4[%scan3A_83, %get3A_270, %get3A_271] : memref<2x64x512xf32, #tpu.memory_space<vmem>> -> memref<1x64x512xf32, #tpu.memory_space<vmem>>
        %get3A_273 = tpu.memref_squeeze %get3A_272 : memref<1x64x512xf32, #tpu.memory_space<vmem>> -> memref<64x512xf32, #tpu.memory_space<vmem>>
        %get3A_274 = arith.index_cast %add3A_269 : i32 to index
        %get3A_275 = arith.index_cast %mul3A_178 : i32 to index
        %get3A_276 = tpu.vector_load %get3A_273[%get3A_274, %get3A_275] {strides = array<i32>} : memref<64x512xf32, #tpu.memory_space<vmem>>, vector<1x16xf32>,
        %get3A_277 = vector.shape_cast %get3A_276 : vector<1x16xf32> to vector<16xf32>
        %add3A_278 = arith.constant 10 : i32
        %add3A_279 = arith.addi %mul3A_166, %add3A_278 : i32
        %get3A_280 = arith.constant 0 : i32
        %get3A_281 = arith.constant 0 : i32
        %get3A_282 = tpu.memref_slice %arg4[%scan3A_83, %get3A_280, %get3A_281] : memref<2x64x512xf32, #tpu.memory_space<vmem>> -> memref<1x64x512xf32, #tpu.memory_space<vmem>>
        %get3A_283 = tpu.memref_squeeze %get3A_282 : memref<1x64x512xf32, #tpu.memory_space<vmem>> -> memref<64x512xf32, #tpu.memory_space<vmem>>
        %get3A_284 = arith.index_cast %add3A_279 : i32 to index
        %get3A_285 = arith.index_cast %mul3A_178 : i32 to index
        %get3A_286 = tpu.vector_load %get3A_283[%get3A_284, %get3A_285] {strides = array<i32>} : memref<64x512xf32, #tpu.memory_space<vmem>>, vector<1x16xf32>,
        %get3A_287 = vector.shape_cast %get3A_286 : vector<1x16xf32> to vector<16xf32>
        %add3A_288 = arith.constant 11 : i32
        %add3A_289 = arith.addi %mul3A_166, %add3A_288 : i32
        %get3A_290 = arith.constant 0 : i32
        %get3A_291 = arith.constant 0 : i32
        %get3A_292 = tpu.memref_slice %arg4[%scan3A_83, %get3A_290, %get3A_291] : memref<2x64x512xf32, #tpu.memory_space<vmem>> -> memref<1x64x512xf32, #tpu.memory_space<vmem>>
        %get3A_293 = tpu.memref_squeeze %get3A_292 : memref<1x64x512xf32, #tpu.memory_space<vmem>> -> memref<64x512xf32, #tpu.memory_space<vmem>>
        %get3A_294 = arith.index_cast %add3A_289 : i32 to index
        %get3A_295 = arith.index_cast %mul3A_178 : i32 to index
        %get3A_296 = tpu.vector_load %get3A_293[%get3A_294, %get3A_295] {strides = array<i32>} : memref<64x512xf32, #tpu.memory_space<vmem>>, vector<1x16xf32>,
        %get3A_297 = vector.shape_cast %get3A_296 : vector<1x16xf32> to vector<16xf32>
        %add3A_298 = arith.constant 12 : i32
        %add3A_299 = arith.addi %mul3A_166, %add3A_298 : i32
        %get3A_300 = arith.constant 0 : i32
        %get3A_301 = arith.constant 0 : i32
        %get3A_302 = tpu.memref_slice %arg4[%scan3A_83, %get3A_300, %get3A_301] : memref<2x64x512xf32, #tpu.memory_space<vmem>> -> memref<1x64x512xf32, #tpu.memory_space<vmem>>
        %get3A_303 = tpu.memref_squeeze %get3A_302 : memref<1x64x512xf32, #tpu.memory_space<vmem>> -> memref<64x512xf32, #tpu.memory_space<vmem>>
        %get3A_304 = arith.index_cast %add3A_299 : i32 to index
        %get3A_305 = arith.index_cast %mul3A_178 : i32 to index
        %get3A_306 = tpu.vector_load %get3A_303[%get3A_304, %get3A_305] {strides = array<i32>} : memref<64x512xf32, #tpu.memory_space<vmem>>, vector<1x16xf32>,
        %get3A_307 = vector.shape_cast %get3A_306 : vector<1x16xf32> to vector<16xf32>
        %add3A_308 = arith.constant 13 : i32
        %add3A_309 = arith.addi %mul3A_166, %add3A_308 : i32
        %get3A_310 = arith.constant 0 : i32
        %get3A_311 = arith.constant 0 : i32
        %get3A_312 = tpu.memref_slice %arg4[%scan3A_83, %get3A_310, %get3A_311] : memref<2x64x512xf32, #tpu.memory_space<vmem>> -> memref<1x64x512xf32, #tpu.memory_space<vmem>>
        %get3A_313 = tpu.memref_squeeze %get3A_312 : memref<1x64x512xf32, #tpu.memory_space<vmem>> -> memref<64x512xf32, #tpu.memory_space<vmem>>
        %get3A_314 = arith.index_cast %add3A_309 : i32 to index
        %get3A_315 = arith.index_cast %mul3A_178 : i32 to index
        %get3A_316 = tpu.vector_load %get3A_313[%get3A_314, %get3A_315] {strides = array<i32>} : memref<64x512xf32, #tpu.memory_space<vmem>>, vector<1x16xf32>,
        %get3A_317 = vector.shape_cast %get3A_316 : vector<1x16xf32> to vector<16xf32>
        %add3A_318 = arith.constant 14 : i32
        %add3A_319 = arith.addi %mul3A_166, %add3A_318 : i32
        %get3A_320 = arith.constant 0 : i32
        %get3A_321 = arith.constant 0 : i32
        %get3A_322 = tpu.memref_slice %arg4[%scan3A_83, %get3A_320, %get3A_321] : memref<2x64x512xf32, #tpu.memory_space<vmem>> -> memref<1x64x512xf32, #tpu.memory_space<vmem>>
        %get3A_323 = tpu.memref_squeeze %get3A_322 : memref<1x64x512xf32, #tpu.memory_space<vmem>> -> memref<64x512xf32, #tpu.memory_space<vmem>>
        %get3A_324 = arith.index_cast %add3A_319 : i32 to index
        %get3A_325 = arith.index_cast %mul3A_178 : i32 to index
        %get3A_326 = tpu.vector_load %get3A_323[%get3A_324, %get3A_325] {strides = array<i32>} : memref<64x512xf32, #tpu.memory_space<vmem>>, vector<1x16xf32>,
        %get3A_327 = vector.shape_cast %get3A_326 : vector<1x16xf32> to vector<16xf32>
        %add3A_328 = arith.constant 15 : i32
        %add3A_329 = arith.addi %mul3A_166, %add3A_328 : i32
        %get3A_330 = arith.constant 0 : i32
        %get3A_331 = arith.constant 0 : i32
        %get3A_332 = tpu.memref_slice %arg4[%scan3A_83, %get3A_330, %get3A_331] : memref<2x64x512xf32, #tpu.memory_space<vmem>> -> memref<1x64x512xf32, #tpu.memory_space<vmem>>
        %get3A_333 = tpu.memref_squeeze %get3A_332 : memref<1x64x512xf32, #tpu.memory_space<vmem>> -> memref<64x512xf32, #tpu.memory_space<vmem>>
        %get3A_334 = arith.index_cast %add3A_329 : i32 to index
        %get3A_335 = arith.index_cast %mul3A_178 : i32 to index
        %get3A_336 = tpu.vector_load %get3A_333[%get3A_334, %get3A_335] {strides = array<i32>} : memref<64x512xf32, #tpu.memory_space<vmem>>, vector<1x16xf32>,
        %get3A_337 = vector.shape_cast %get3A_336 : vector<1x16xf32> to vector<16xf32>
        %mul3A_338 = vector.broadcast %select_n3A_161 : f32 to vector<16xf32>
        %mul3A_339 = arith.mulf %get3A_337, %mul3A_338 : vector<16xf32>
        %add3A_340 = arith.addf %get3A_187, %get3A_197 : vector<16xf32>
        %add3A_341 = arith.addf %get3A_207, %get3A_217 : vector<16xf32>
        %add3A_342 = arith.addf %get3A_227, %get3A_237 : vector<16xf32>
        %add3A_343 = arith.addf %get3A_247, %get3A_257 : vector<16xf32>
        %add3A_344 = arith.addf %get3A_267, %get3A_277 : vector<16xf32>
        %add3A_345 = arith.addf %get3A_287, %get3A_297 : vector<16xf32>
        %add3A_346 = arith.addf %get3A_307, %get3A_317 : vector<16xf32>
        %add3A_347 = arith.addf %get3A_327, %mul3A_339 : vector<16xf32>
        %add3A_348 = arith.addf %add3A_340, %add3A_341 : vector<16xf32>
        %add3A_349 = arith.addf %add3A_342, %add3A_343 : vector<16xf32>
        %add3A_350 = arith.addf %add3A_344, %add3A_345 : vector<16xf32>
        %add3A_351 = arith.addf %add3A_346, %add3A_347 : vector<16xf32>
        %add3A_352 = arith.addf %add3A_348, %add3A_349 : vector<16xf32>
        %add3A_353 = arith.addf %add3A_350, %add3A_351 : vector<16xf32>
        %add3A_354 = arith.addf %add3A_352, %add3A_353 : vector<16xf32>
        %mul3A_355 = vector.broadcast %select_n3A_164 : f32 to vector<16xf32>
        %mul3A_356 = arith.mulf %add3A_354, %mul3A_355 : vector<16xf32>
        %swap3A = arith.index_cast %add3A_146 : i32 to index
        %swap3A_357 = arith.index_cast %mul3A_178 : i32 to index
        %swap3A_358 = tpu.vector_load %arg5[%swap3A, %swap3A_357] {strides = array<i32>} : memref<16x512xf32, #tpu.memory_space<vmem>>, vector<1x16xf32>,
        %swap3A_359 = vector.shape_cast %swap3A_358 : vector<1x16xf32> to vector<16xf32>
        %swap3A_360 = vector.shape_cast %mul3A_356 : vector<16xf32> to vector<1x16xf32>
        tpu.vector_store %arg5[%swap3A, %swap3A_357], %swap3A_360 {strides = array<i32>} : memref<16x512xf32, #tpu.memory_space<vmem>>, vector<1x16xf32>,
        %mul3A_361 = arith.constant 2 : i32
        %mul3A_362 = arith.muli %scan3A_172, %mul3A_361 : i32
        %add3A_363 = arith.constant 1 : i32
        %add3A_364 = arith.addi %mul3A_362, %add3A_363 : i32
        %mul3A_365 = arith.constant 16 : i32
        %mul3A_366 = arith.muli %add3A_364, %mul3A_365 : i32
        %add3A_367 = arith.constant 0 : i32
        %add3A_368 = arith.addi %mul3A_166, %add3A_367 : i32
        %get3A_369 = arith.constant 0 : i32
        %get3A_370 = arith.constant 0 : i32
        %get3A_371 = tpu.memref_slice %arg4[%scan3A_83, %get3A_369, %get3A_370] : memref<2x64x512xf32, #tpu.memory_space<vmem>> -> memref<1x64x512xf32, #tpu.memory_space<vmem>>
        %get3A_372 = tpu.memref_squeeze %get3A_371 : memref<1x64x512xf32, #tpu.memory_space<vmem>> -> memref<64x512xf32, #tpu.memory_space<vmem>>
        %get3A_373 = arith.index_cast %add3A_368 : i32 to index
        %get3A_374 = arith.index_cast %mul3A_366 : i32 to index
        %get3A_375 = tpu.vector_load %get3A_372[%get3A_373, %get3A_374] {strides = array<i32>} : memref<64x512xf32, #tpu.memory_space<vmem>>, vector<1x16xf32>,
        %get3A_376 = vector.shape_cast %get3A_375 : vector<1x16xf32> to vector<16xf32>
        %add3A_377 = arith.constant 1 : i32
        %add3A_378 = arith.addi %mul3A_166, %add3A_377 : i32
        %get3A_379 = arith.constant 0 : i32
        %get3A_380 = arith.constant 0 : i32
        %get3A_381 = tpu.memref_slice %arg4[%scan3A_83, %get3A_379, %get3A_380] : memref<2x64x512xf32, #tpu.memory_space<vmem>> -> memref<1x64x512xf32, #tpu.memory_space<vmem>>
        %get3A_382 = tpu.memref_squeeze %get3A_381 : memref<1x64x512xf32, #tpu.memory_space<vmem>> -> memref<64x512xf32, #tpu.memory_space<vmem>>
        %get3A_383 = arith.index_cast %add3A_378 : i32 to index
        %get3A_384 = arith.index_cast %mul3A_366 : i32 to index
        %get3A_385 = tpu.vector_load %get3A_382[%get3A_383, %get3A_384] {strides = array<i32>} : memref<64x512xf32, #tpu.memory_space<vmem>>, vector<1x16xf32>,
        %get3A_386 = vector.shape_cast %get3A_385 : vector<1x16xf32> to vector<16xf32>
        %add3A_387 = arith.constant 2 : i32
        %add3A_388 = arith.addi %mul3A_166, %add3A_387 : i32
        %get3A_389 = arith.constant 0 : i32
        %get3A_390 = arith.constant 0 : i32
        %get3A_391 = tpu.memref_slice %arg4[%scan3A_83, %get3A_389, %get3A_390] : memref<2x64x512xf32, #tpu.memory_space<vmem>> -> memref<1x64x512xf32, #tpu.memory_space<vmem>>
        %get3A_392 = tpu.memref_squeeze %get3A_391 : memref<1x64x512xf32, #tpu.memory_space<vmem>> -> memref<64x512xf32, #tpu.memory_space<vmem>>
        %get3A_393 = arith.index_cast %add3A_388 : i32 to index
        %get3A_394 = arith.index_cast %mul3A_366 : i32 to index
        %get3A_395 = tpu.vector_load %get3A_392[%get3A_393, %get3A_394] {strides = array<i32>} : memref<64x512xf32, #tpu.memory_space<vmem>>, vector<1x16xf32>,
        %get3A_396 = vector.shape_cast %get3A_395 : vector<1x16xf32> to vector<16xf32>
        %add3A_397 = arith.constant 3 : i32
        %add3A_398 = arith.addi %mul3A_166, %add3A_397 : i32
        %get3A_399 = arith.constant 0 : i32
        %get3A_400 = arith.constant 0 : i32
        %get3A_401 = tpu.memref_slice %arg4[%scan3A_83, %get3A_399, %get3A_400] : memref<2x64x512xf32, #tpu.memory_space<vmem>> -> memref<1x64x512xf32, #tpu.memory_space<vmem>>
        %get3A_402 = tpu.memref_squeeze %get3A_401 : memref<1x64x512xf32, #tpu.memory_space<vmem>> -> memref<64x512xf32, #tpu.memory_space<vmem>>
        %get3A_403 = arith.index_cast %add3A_398 : i32 to index
        %get3A_404 = arith.index_cast %mul3A_366 : i32 to index
        %get3A_405 = tpu.vector_load %get3A_402[%get3A_403, %get3A_404] {strides = array<i32>} : memref<64x512xf32, #tpu.memory_space<vmem>>, vector<1x16xf32>,
        %get3A_406 = vector.shape_cast %get3A_405 : vector<1x16xf32> to vector<16xf32>
        %add3A_407 = arith.constant 4 : i32
        %add3A_408 = arith.addi %mul3A_166, %add3A_407 : i32
        %get3A_409 = arith.constant 0 : i32
        %get3A_410 = arith.constant 0 : i32
        %get3A_411 = tpu.memref_slice %arg4[%scan3A_83, %get3A_409, %get3A_410] : memref<2x64x512xf32, #tpu.memory_space<vmem>> -> memref<1x64x512xf32, #tpu.memory_space<vmem>>
        %get3A_412 = tpu.memref_squeeze %get3A_411 : memref<1x64x512xf32, #tpu.memory_space<vmem>> -> memref<64x512xf32, #tpu.memory_space<vmem>>
        %get3A_413 = arith.index_cast %add3A_408 : i32 to index
        %get3A_414 = arith.index_cast %mul3A_366 : i32 to index
        %get3A_415 = tpu.vector_load %get3A_412[%get3A_413, %get3A_414] {strides = array<i32>} : memref<64x512xf32, #tpu.memory_space<vmem>>, vector<1x16xf32>,
        %get3A_416 = vector.shape_cast %get3A_415 : vector<1x16xf32> to vector<16xf32>
        %add3A_417 = arith.constant 5 : i32
        %add3A_418 = arith.addi %mul3A_166, %add3A_417 : i32
        %get3A_419 = arith.constant 0 : i32
        %get3A_420 = arith.constant 0 : i32
        %get3A_421 = tpu.memref_slice %arg4[%scan3A_83, %get3A_419, %get3A_420] : memref<2x64x512xf32, #tpu.memory_space<vmem>> -> memref<1x64x512xf32, #tpu.memory_space<vmem>>
        %get3A_422 = tpu.memref_squeeze %get3A_421 : memref<1x64x512xf32, #tpu.memory_space<vmem>> -> memref<64x512xf32, #tpu.memory_space<vmem>>
        %get3A_423 = arith.index_cast %add3A_418 : i32 to index
        %get3A_424 = arith.index_cast %mul3A_366 : i32 to index
        %get3A_425 = tpu.vector_load %get3A_422[%get3A_423, %get3A_424] {strides = array<i32>} : memref<64x512xf32, #tpu.memory_space<vmem>>, vector<1x16xf32>,
        %get3A_426 = vector.shape_cast %get3A_425 : vector<1x16xf32> to vector<16xf32>
        %add3A_427 = arith.constant 6 : i32
        %add3A_428 = arith.addi %mul3A_166, %add3A_427 : i32
        %get3A_429 = arith.constant 0 : i32
        %get3A_430 = arith.constant 0 : i32
        %get3A_431 = tpu.memref_slice %arg4[%scan3A_83, %get3A_429, %get3A_430] : memref<2x64x512xf32, #tpu.memory_space<vmem>> -> memref<1x64x512xf32, #tpu.memory_space<vmem>>
        %get3A_432 = tpu.memref_squeeze %get3A_431 : memref<1x64x512xf32, #tpu.memory_space<vmem>> -> memref<64x512xf32, #tpu.memory_space<vmem>>
        %get3A_433 = arith.index_cast %add3A_428 : i32 to index
        %get3A_434 = arith.index_cast %mul3A_366 : i32 to index
        %get3A_435 = tpu.vector_load %get3A_432[%get3A_433, %get3A_434] {strides = array<i32>} : memref<64x512xf32, #tpu.memory_space<vmem>>, vector<1x16xf32>,
        %get3A_436 = vector.shape_cast %get3A_435 : vector<1x16xf32> to vector<16xf32>
        %add3A_437 = arith.constant 7 : i32
        %add3A_438 = arith.addi %mul3A_166, %add3A_437 : i32
        %get3A_439 = arith.constant 0 : i32
        %get3A_440 = arith.constant 0 : i32
        %get3A_441 = tpu.memref_slice %arg4[%scan3A_83, %get3A_439, %get3A_440] : memref<2x64x512xf32, #tpu.memory_space<vmem>> -> memref<1x64x512xf32, #tpu.memory_space<vmem>>
        %get3A_442 = tpu.memref_squeeze %get3A_441 : memref<1x64x512xf32, #tpu.memory_space<vmem>> -> memref<64x512xf32, #tpu.memory_space<vmem>>
        %get3A_443 = arith.index_cast %add3A_438 : i32 to index
        %get3A_444 = arith.index_cast %mul3A_366 : i32 to index
        %get3A_445 = tpu.vector_load %get3A_442[%get3A_443, %get3A_444] {strides = array<i32>} : memref<64x512xf32, #tpu.memory_space<vmem>>, vector<1x16xf32>,
        %get3A_446 = vector.shape_cast %get3A_445 : vector<1x16xf32> to vector<16xf32>
        %add3A_447 = arith.constant 8 : i32
        %add3A_448 = arith.addi %mul3A_166, %add3A_447 : i32
        %get3A_449 = arith.constant 0 : i32
        %get3A_450 = arith.constant 0 : i32
        %get3A_451 = tpu.memref_slice %arg4[%scan3A_83, %get3A_449, %get3A_450] : memref<2x64x512xf32, #tpu.memory_space<vmem>> -> memref<1x64x512xf32, #tpu.memory_space<vmem>>
        %get3A_452 = tpu.memref_squeeze %get3A_451 : memref<1x64x512xf32, #tpu.memory_space<vmem>> -> memref<64x512xf32, #tpu.memory_space<vmem>>
        %get3A_453 = arith.index_cast %add3A_448 : i32 to index
        %get3A_454 = arith.index_cast %mul3A_366 : i32 to index
        %get3A_455 = tpu.vector_load %get3A_452[%get3A_453, %get3A_454] {strides = array<i32>} : memref<64x512xf32, #tpu.memory_space<vmem>>, vector<1x16xf32>,
        %get3A_456 = vector.shape_cast %get3A_455 : vector<1x16xf32> to vector<16xf32>
        %add3A_457 = arith.constant 9 : i32
        %add3A_458 = arith.addi %mul3A_166, %add3A_457 : i32
        %get3A_459 = arith.constant 0 : i32
        %get3A_460 = arith.constant 0 : i32
        %get3A_461 = tpu.memref_slice %arg4[%scan3A_83, %get3A_459, %get3A_460] : memref<2x64x512xf32, #tpu.memory_space<vmem>> -> memref<1x64x512xf32, #tpu.memory_space<vmem>>
        %get3A_462 = tpu.memref_squeeze %get3A_461 : memref<1x64x512xf32, #tpu.memory_space<vmem>> -> memref<64x512xf32, #tpu.memory_space<vmem>>
        %get3A_463 = arith.index_cast %add3A_458 : i32 to index
        %get3A_464 = arith.index_cast %mul3A_366 : i32 to index
        %get3A_465 = tpu.vector_load %get3A_462[%get3A_463, %get3A_464] {strides = array<i32>} : memref<64x512xf32, #tpu.memory_space<vmem>>, vector<1x16xf32>,
        %get3A_466 = vector.shape_cast %get3A_465 : vector<1x16xf32> to vector<16xf32>
        %add3A_467 = arith.constant 10 : i32
        %add3A_468 = arith.addi %mul3A_166, %add3A_467 : i32
        %get3A_469 = arith.constant 0 : i32
        %get3A_470 = arith.constant 0 : i32
        %get3A_471 = tpu.memref_slice %arg4[%scan3A_83, %get3A_469, %get3A_470] : memref<2x64x512xf32, #tpu.memory_space<vmem>> -> memref<1x64x512xf32, #tpu.memory_space<vmem>>
        %get3A_472 = tpu.memref_squeeze %get3A_471 : memref<1x64x512xf32, #tpu.memory_space<vmem>> -> memref<64x512xf32, #tpu.memory_space<vmem>>
        %get3A_473 = arith.index_cast %add3A_468 : i32 to index
        %get3A_474 = arith.index_cast %mul3A_366 : i32 to index
        %get3A_475 = tpu.vector_load %get3A_472[%get3A_473, %get3A_474] {strides = array<i32>} : memref<64x512xf32, #tpu.memory_space<vmem>>, vector<1x16xf32>,
        %get3A_476 = vector.shape_cast %get3A_475 : vector<1x16xf32> to vector<16xf32>
        %add3A_477 = arith.constant 11 : i32
        %add3A_478 = arith.addi %mul3A_166, %add3A_477 : i32
        %get3A_479 = arith.constant 0 : i32
        %get3A_480 = arith.constant 0 : i32
        %get3A_481 = tpu.memref_slice %arg4[%scan3A_83, %get3A_479, %get3A_480] : memref<2x64x512xf32, #tpu.memory_space<vmem>> -> memref<1x64x512xf32, #tpu.memory_space<vmem>>
        %get3A_482 = tpu.memref_squeeze %get3A_481 : memref<1x64x512xf32, #tpu.memory_space<vmem>> -> memref<64x512xf32, #tpu.memory_space<vmem>>
        %get3A_483 = arith.index_cast %add3A_478 : i32 to index
        %get3A_484 = arith.index_cast %mul3A_366 : i32 to index
        %get3A_485 = tpu.vector_load %get3A_482[%get3A_483, %get3A_484] {strides = array<i32>} : memref<64x512xf32, #tpu.memory_space<vmem>>, vector<1x16xf32>,
        %get3A_486 = vector.shape_cast %get3A_485 : vector<1x16xf32> to vector<16xf32>
        %add3A_487 = arith.constant 12 : i32
        %add3A_488 = arith.addi %mul3A_166, %add3A_487 : i32
        %get3A_489 = arith.constant 0 : i32
        %get3A_490 = arith.constant 0 : i32
        %get3A_491 = tpu.memref_slice %arg4[%scan3A_83, %get3A_489, %get3A_490] : memref<2x64x512xf32, #tpu.memory_space<vmem>> -> memref<1x64x512xf32, #tpu.memory_space<vmem>>
        %get3A_492 = tpu.memref_squeeze %get3A_491 : memref<1x64x512xf32, #tpu.memory_space<vmem>> -> memref<64x512xf32, #tpu.memory_space<vmem>>
        %get3A_493 = arith.index_cast %add3A_488 : i32 to index
        %get3A_494 = arith.index_cast %mul3A_366 : i32 to index
        %get3A_495 = tpu.vector_load %get3A_492[%get3A_493, %get3A_494] {strides = array<i32>} : memref<64x512xf32, #tpu.memory_space<vmem>>, vector<1x16xf32>,
        %get3A_496 = vector.shape_cast %get3A_495 : vector<1x16xf32> to vector<16xf32>
        %add3A_497 = arith.constant 13 : i32
        %add3A_498 = arith.addi %mul3A_166, %add3A_497 : i32
        %get3A_499 = arith.constant 0 : i32
        %get3A_500 = arith.constant 0 : i32
        %get3A_501 = tpu.memref_slice %arg4[%scan3A_83, %get3A_499, %get3A_500] : memref<2x64x512xf32, #tpu.memory_space<vmem>> -> memref<1x64x512xf32, #tpu.memory_space<vmem>>
        %get3A_502 = tpu.memref_squeeze %get3A_501 : memref<1x64x512xf32, #tpu.memory_space<vmem>> -> memref<64x512xf32, #tpu.memory_space<vmem>>
        %get3A_503 = arith.index_cast %add3A_498 : i32 to index
        %get3A_504 = arith.index_cast %mul3A_366 : i32 to index
        %get3A_505 = tpu.vector_load %get3A_502[%get3A_503, %get3A_504] {strides = array<i32>} : memref<64x512xf32, #tpu.memory_space<vmem>>, vector<1x16xf32>,
        %get3A_506 = vector.shape_cast %get3A_505 : vector<1x16xf32> to vector<16xf32>
        %add3A_507 = arith.constant 14 : i32
        %add3A_508 = arith.addi %mul3A_166, %add3A_507 : i32
        %get3A_509 = arith.constant 0 : i32
        %get3A_510 = arith.constant 0 : i32
        %get3A_511 = tpu.memref_slice %arg4[%scan3A_83, %get3A_509, %get3A_510] : memref<2x64x512xf32, #tpu.memory_space<vmem>> -> memref<1x64x512xf32, #tpu.memory_space<vmem>>
        %get3A_512 = tpu.memref_squeeze %get3A_511 : memref<1x64x512xf32, #tpu.memory_space<vmem>> -> memref<64x512xf32, #tpu.memory_space<vmem>>
        %get3A_513 = arith.index_cast %add3A_508 : i32 to index
        %get3A_514 = arith.index_cast %mul3A_366 : i32 to index
        %get3A_515 = tpu.vector_load %get3A_512[%get3A_513, %get3A_514] {strides = array<i32>} : memref<64x512xf32, #tpu.memory_space<vmem>>, vector<1x16xf32>,
        %get3A_516 = vector.shape_cast %get3A_515 : vector<1x16xf32> to vector<16xf32>
        %add3A_517 = arith.constant 15 : i32
        %add3A_518 = arith.addi %mul3A_166, %add3A_517 : i32
        %get3A_519 = arith.constant 0 : i32
        %get3A_520 = arith.constant 0 : i32
        %get3A_521 = tpu.memref_slice %arg4[%scan3A_83, %get3A_519, %get3A_520] : memref<2x64x512xf32, #tpu.memory_space<vmem>> -> memref<1x64x512xf32, #tpu.memory_space<vmem>>
        %get3A_522 = tpu.memref_squeeze %get3A_521 : memref<1x64x512xf32, #tpu.memory_space<vmem>> -> memref<64x512xf32, #tpu.memory_space<vmem>>
        %get3A_523 = arith.index_cast %add3A_518 : i32 to index
        %get3A_524 = arith.index_cast %mul3A_366 : i32 to index
        %get3A_525 = tpu.vector_load %get3A_522[%get3A_523, %get3A_524] {strides = array<i32>} : memref<64x512xf32, #tpu.memory_space<vmem>>, vector<1x16xf32>,
        %get3A_526 = vector.shape_cast %get3A_525 : vector<1x16xf32> to vector<16xf32>
        %mul3A_527 = vector.broadcast %select_n3A_161 : f32 to vector<16xf32>
        %mul3A_528 = arith.mulf %get3A_526, %mul3A_527 : vector<16xf32>
        %add3A_529 = arith.addf %get3A_376, %get3A_386 : vector<16xf32>
        %add3A_530 = arith.addf %get3A_396, %get3A_406 : vector<16xf32>
        %add3A_531 = arith.addf %get3A_416, %get3A_426 : vector<16xf32>
        %add3A_532 = arith.addf %get3A_436, %get3A_446 : vector<16xf32>
        %add3A_533 = arith.addf %get3A_456, %get3A_466 : vector<16xf32>
        %add3A_534 = arith.addf %get3A_476, %get3A_486 : vector<16xf32>
        %add3A_535 = arith.addf %get3A_496, %get3A_506 : vector<16xf32>
        %add3A_536 = arith.addf %get3A_516, %mul3A_528 : vector<16xf32>
        %add3A_537 = arith.addf %add3A_529, %add3A_530 : vector<16xf32>
        %add3A_538 = arith.addf %add3A_531, %add3A_532 : vector<16xf32>
        %add3A_539 = arith.addf %add3A_533, %add3A_534 : vector<16xf32>
        %add3A_540 = arith.addf %add3A_535, %add3A_536 : vector<16xf32>
        %add3A_541 = arith.addf %add3A_537, %add3A_538 : vector<16xf32>
        %add3A_542 = arith.addf %add3A_539, %add3A_540 : vector<16xf32>
        %add3A_543 = arith.addf %add3A_541, %add3A_542 : vector<16xf32>
        %mul3A_544 = vector.broadcast %select_n3A_164 : f32 to vector<16xf32>
        %mul3A_545 = arith.mulf %add3A_543, %mul3A_544 : vector<16xf32>
        %swap3A_546 = arith.index_cast %add3A_146 : i32 to index
        %swap3A_547 = arith.index_cast %mul3A_366 : i32 to index
        %swap3A_548 = tpu.vector_load %arg5[%swap3A_546, %swap3A_547] {strides = array<i32>} : memref<16x512xf32, #tpu.memory_space<vmem>>, vector<1x16xf32>,
        %swap3A_549 = vector.shape_cast %swap3A_548 : vector<1x16xf32> to vector<16xf32>
        %swap3A_550 = vector.shape_cast %mul3A_545 : vector<16xf32> to vector<1x16xf32>
        tpu.vector_store %arg5[%swap3A_546, %swap3A_547], %swap3A_550 {strides = array<i32>} : memref<16x512xf32, #tpu.memory_space<vmem>>, vector<1x16xf32>,
      }
      %scan3A_171 = arith.constant 16 : i32
    }
    %scan3A_88 = arith.constant 4 : i32
    %dma_wait3A_89 = arith.constant 0 : i32
    %dma_wait3A_90 = arith.constant 0 : i32
    %dma_wait3A_91 = arith.constant 0 : i32
    %dma_wait3A_92 = tpu.memref_slice %arg4[%dma_wait3A_89, %dma_wait3A_90, %dma_wait3A_91] : memref<2x64x512xf32, #tpu.memory_space<vmem>> -> memref<1x64x512xf32, #tpu.memory_space<vmem>>
    %dma_wait3A_93 = tpu.memref_squeeze %dma_wait3A_92 : memref<1x64x512xf32, #tpu.memory_space<vmem>> -> memref<64x512xf32, #tpu.memory_space<vmem>>
    %dma_wait3A_94 = arith.constant 0 : i32
    %dma_wait3A_95 = tpu.memref_slice %arg2[%add3A_68, %dma_wait3A_94] : memref<32768x512xf32, #tpu.memory_space<hbm>> -> memref<64x512xf32, #tpu.memory_space<hbm>>
    %dma_wait3A_96 = arith.constant 0 : i32
    %dma_wait3A_97 = arith.constant 0 : i32
    %dma_wait3A_98 = tpu.memref_slice %arg4[%dma_wait3A_89, %dma_wait3A_96, %dma_wait3A_97] : memref<2x64x512xf32, #tpu.memory_space<vmem>> -> memref<1x64x512xf32, #tpu.memory_space<vmem>>
    %dma_wait3A_99 = tpu.memref_squeeze %dma_wait3A_98 : memref<1x64x512xf32, #tpu.memory_space<vmem>> -> memref<64x512xf32, #tpu.memory_space<vmem>>
    %dma_wait3A_100 = arith.constant 0 : i32
    %dma_wait3A_101 = tpu.memref_slice %arg2[%add3A_68, %dma_wait3A_100] : memref<32768x512xf32, #tpu.memory_space<hbm>> -> memref<64x512xf32, #tpu.memory_space<hbm>>
    tpu.wait_dma2 semaphore(%arg6 : memref<!tpu.dma_semaphore, #tpu.memory_space<semaphore_mem>>) src(%dma_wait3A_101 : memref<64x512xf32, #tpu.memory_space<hbm>>) dst(%dma_wait3A_99 : memref<64x512xf32, #tpu.memory_space<vmem>>)
    %add3A_102 = arith.constant 192 : i32
    %add3A_103 = arith.addi %add3A_6, %add3A_102 : i32
    %dma_start3A_104 = arith.constant 1 : i32
    %dma_start3A_105 = arith.constant 0 : i32
    %dma_start3A_106 = arith.constant 0 : i32
    %dma_start3A_107 = tpu.memref_slice %arg4[%dma_start3A_104, %dma_start3A_105, %dma_start3A_106] : memref<2x64x512xf32, #tpu.memory_space<vmem>> -> memref<1x64x512xf32, #tpu.memory_space<vmem>>
    %dma_start3A_108 = tpu.memref_squeeze %dma_start3A_107 : memref<1x64x512xf32, #tpu.memory_space<vmem>> -> memref<64x512xf32, #tpu.memory_space<vmem>>
    %dma_start3A_109 = arith.constant 0 : i32
    %dma_start3A_110 = tpu.memref_slice %arg2[%add3A_103, %dma_start3A_109] : memref<32768x512xf32, #tpu.memory_space<hbm>> -> memref<64x512xf32, #tpu.memory_space<hbm>>
    %dma_start3A_111 = arith.constant 0 : i32
    %dma_start3A_112 = arith.constant 0 : i32
    %dma_start3A_113 = tpu.memref_slice %arg4[%dma_start3A_104, %dma_start3A_111, %dma_start3A_112] : memref<2x64x512xf32, #tpu.memory_space<vmem>> -> memref<1x64x512xf32, #tpu.memory_space<vmem>>
    %dma_start3A_114 = tpu.memref_squeeze %dma_start3A_113 : memref<1x64x512xf32, #tpu.memory_space<vmem>> -> memref<64x512xf32, #tpu.memory_space<vmem>>
    %dma_start3A_115 = arith.constant 0 : i32
    %dma_start3A_116 = tpu.memref_slice %arg2[%add3A_103, %dma_start3A_115] : memref<32768x512xf32, #tpu.memory_space<hbm>> -> memref<64x512xf32, #tpu.memory_space<hbm>>
    tpu.enqueue_dma source(%dma_start3A_116 : memref<64x512xf32, #tpu.memory_space<hbm>>) target(%dma_start3A_114 : memref<64x512xf32, #tpu.memory_space<vmem>>) target_semaphore(%arg7 : memref<!tpu.dma_semaphore, #tpu.memory_space<semaphore_mem>>)
    %scan3A_117 = arith.constant 0 : i32
    %scan3A_118 = arith.constant 0 : i32
    %scan3A_119 = arith.constant 0 : i32
    %scan3A_120 = arith.constant 4 : i32
    %scan3A_121 = arith.addi %scan3A_119, %scan3A_120 : i32
    %scan3A_122 = arith.constant 1 : i32
    scf.for %scan3A_144 = %scan3A_119 to %scan3A_121 step %scan3A_122  : i32 {
      %add3A_145 = arith.constant 8 : i32
      %add3A_146 = arith.addi %add3A_145, %scan3A_144 : i32
      %add3A_147 = arith.addi %mul3A_2, %add3A_146 : i32
      %jit3A = arith.constant 128 : i32
      %eq3A = arith.constant 0 : i32
      %eq3A_148 = arith.cmpi eq, %jit3A, %eq3A : i32
      %jit3A_149 = arith.constant 1 : i32
      %select_n3A = arith.select %eq3A_148, %jit3A_149, %jit3A : i32
      %rem3A = arith.remsi %add3A_147, %select_n3A : i32
      %ne3A = arith.constant 0 : i32
      %ne3A_150 = arith.cmpi ne, %rem3A, %ne3A : i32
      %lt3A = arith.constant 0 : i32
      %lt3A_151 = arith.cmpi slt, %rem3A, %lt3A : i32
      %lt3A_152 = arith.constant 0 : i32
      %lt3A_153 = arith.cmpi slt, %select_n3A, %lt3A_152 : i32
      %ne3A_154 = arith.xori %lt3A_151, %lt3A_153 : i1
      %and3A = arith.andi %ne3A_154, %ne3A_150 : i1
      %add3A_155 = arith.addi %rem3A, %select_n3A : i32
      %select_n3A_156 = arith.select %and3A, %add3A_155, %rem3A : i32
      %eq3A_157 = arith.constant 127 : i32
      %eq3A_158 = arith.cmpi eq, %select_n3A_156, %eq3A_157 : i32
      %jit3A_159 = arith.constant 0.000000e+00 : f32
      %jit3A_160 = arith.constant 1.000000e+00 : f32
      %select_n3A_161 = arith.select %eq3A_158, %jit3A_159, %jit3A_160 : f32
      %jit3A_162 = arith.constant 0.0666666701 : f32
      %jit3A_163 = arith.constant 6.250000e-02 : f32
      %select_n3A_164 = arith.select %eq3A_158, %jit3A_162, %jit3A_163 : f32
      %mul3A_165 = arith.constant 16 : i32
      %mul3A_166 = arith.muli %scan3A_144, %mul3A_165 : i32
      %scan3A_167 = arith.constant 0 : i32
      %scan3A_168 = arith.constant 16 : i32
      %scan3A_169 = arith.addi %scan3A_167, %scan3A_168 : i32
      %scan3A_170 = arith.constant 1 : i32
      scf.for %scan3A_172 = %scan3A_167 to %scan3A_169 step %scan3A_170  : i32 {
        %mul3A_173 = arith.constant 2 : i32
        %mul3A_174 = arith.muli %scan3A_172, %mul3A_173 : i32
        %add3A_175 = arith.constant 0 : i32
        %add3A_176 = arith.addi %mul3A_174, %add3A_175 : i32
        %mul3A_177 = arith.constant 16 : i32
        %mul3A_178 = arith.muli %add3A_176, %mul3A_177 : i32
        %add3A_179 = arith.constant 0 : i32
        %add3A_180 = arith.addi %mul3A_166, %add3A_179 : i32
        %get3A = arith.constant 0 : i32
        %get3A_181 = arith.constant 0 : i32
        %get3A_182 = tpu.memref_slice %arg4[%scan3A_118, %get3A, %get3A_181] : memref<2x64x512xf32, #tpu.memory_space<vmem>> -> memref<1x64x512xf32, #tpu.memory_space<vmem>>
        %get3A_183 = tpu.memref_squeeze %get3A_182 : memref<1x64x512xf32, #tpu.memory_space<vmem>> -> memref<64x512xf32, #tpu.memory_space<vmem>>
        %get3A_184 = arith.index_cast %add3A_180 : i32 to index
        %get3A_185 = arith.index_cast %mul3A_178 : i32 to index
        %get3A_186 = tpu.vector_load %get3A_183[%get3A_184, %get3A_185] {strides = array<i32>} : memref<64x512xf32, #tpu.memory_space<vmem>>, vector<1x16xf32>,
        %get3A_187 = vector.shape_cast %get3A_186 : vector<1x16xf32> to vector<16xf32>
        %add3A_188 = arith.constant 1 : i32
        %add3A_189 = arith.addi %mul3A_166, %add3A_188 : i32
        %get3A_190 = arith.constant 0 : i32
        %get3A_191 = arith.constant 0 : i32
        %get3A_192 = tpu.memref_slice %arg4[%scan3A_118, %get3A_190, %get3A_191] : memref<2x64x512xf32, #tpu.memory_space<vmem>> -> memref<1x64x512xf32, #tpu.memory_space<vmem>>
        %get3A_193 = tpu.memref_squeeze %get3A_192 : memref<1x64x512xf32, #tpu.memory_space<vmem>> -> memref<64x512xf32, #tpu.memory_space<vmem>>
        %get3A_194 = arith.index_cast %add3A_189 : i32 to index
        %get3A_195 = arith.index_cast %mul3A_178 : i32 to index
        %get3A_196 = tpu.vector_load %get3A_193[%get3A_194, %get3A_195] {strides = array<i32>} : memref<64x512xf32, #tpu.memory_space<vmem>>, vector<1x16xf32>,
        %get3A_197 = vector.shape_cast %get3A_196 : vector<1x16xf32> to vector<16xf32>
        %add3A_198 = arith.constant 2 : i32
        %add3A_199 = arith.addi %mul3A_166, %add3A_198 : i32
        %get3A_200 = arith.constant 0 : i32
        %get3A_201 = arith.constant 0 : i32
        %get3A_202 = tpu.memref_slice %arg4[%scan3A_118, %get3A_200, %get3A_201] : memref<2x64x512xf32, #tpu.memory_space<vmem>> -> memref<1x64x512xf32, #tpu.memory_space<vmem>>
        %get3A_203 = tpu.memref_squeeze %get3A_202 : memref<1x64x512xf32, #tpu.memory_space<vmem>> -> memref<64x512xf32, #tpu.memory_space<vmem>>
        %get3A_204 = arith.index_cast %add3A_199 : i32 to index
        %get3A_205 = arith.index_cast %mul3A_178 : i32 to index
        %get3A_206 = tpu.vector_load %get3A_203[%get3A_204, %get3A_205] {strides = array<i32>} : memref<64x512xf32, #tpu.memory_space<vmem>>, vector<1x16xf32>,
        %get3A_207 = vector.shape_cast %get3A_206 : vector<1x16xf32> to vector<16xf32>
        %add3A_208 = arith.constant 3 : i32
        %add3A_209 = arith.addi %mul3A_166, %add3A_208 : i32
        %get3A_210 = arith.constant 0 : i32
        %get3A_211 = arith.constant 0 : i32
        %get3A_212 = tpu.memref_slice %arg4[%scan3A_118, %get3A_210, %get3A_211] : memref<2x64x512xf32, #tpu.memory_space<vmem>> -> memref<1x64x512xf32, #tpu.memory_space<vmem>>
        %get3A_213 = tpu.memref_squeeze %get3A_212 : memref<1x64x512xf32, #tpu.memory_space<vmem>> -> memref<64x512xf32, #tpu.memory_space<vmem>>
        %get3A_214 = arith.index_cast %add3A_209 : i32 to index
        %get3A_215 = arith.index_cast %mul3A_178 : i32 to index
        %get3A_216 = tpu.vector_load %get3A_213[%get3A_214, %get3A_215] {strides = array<i32>} : memref<64x512xf32, #tpu.memory_space<vmem>>, vector<1x16xf32>,
        %get3A_217 = vector.shape_cast %get3A_216 : vector<1x16xf32> to vector<16xf32>
        %add3A_218 = arith.constant 4 : i32
        %add3A_219 = arith.addi %mul3A_166, %add3A_218 : i32
        %get3A_220 = arith.constant 0 : i32
        %get3A_221 = arith.constant 0 : i32
        %get3A_222 = tpu.memref_slice %arg4[%scan3A_118, %get3A_220, %get3A_221] : memref<2x64x512xf32, #tpu.memory_space<vmem>> -> memref<1x64x512xf32, #tpu.memory_space<vmem>>
        %get3A_223 = tpu.memref_squeeze %get3A_222 : memref<1x64x512xf32, #tpu.memory_space<vmem>> -> memref<64x512xf32, #tpu.memory_space<vmem>>
        %get3A_224 = arith.index_cast %add3A_219 : i32 to index
        %get3A_225 = arith.index_cast %mul3A_178 : i32 to index
        %get3A_226 = tpu.vector_load %get3A_223[%get3A_224, %get3A_225] {strides = array<i32>} : memref<64x512xf32, #tpu.memory_space<vmem>>, vector<1x16xf32>,
        %get3A_227 = vector.shape_cast %get3A_226 : vector<1x16xf32> to vector<16xf32>
        %add3A_228 = arith.constant 5 : i32
        %add3A_229 = arith.addi %mul3A_166, %add3A_228 : i32
        %get3A_230 = arith.constant 0 : i32
        %get3A_231 = arith.constant 0 : i32
        %get3A_232 = tpu.memref_slice %arg4[%scan3A_118, %get3A_230, %get3A_231] : memref<2x64x512xf32, #tpu.memory_space<vmem>> -> memref<1x64x512xf32, #tpu.memory_space<vmem>>
        %get3A_233 = tpu.memref_squeeze %get3A_232 : memref<1x64x512xf32, #tpu.memory_space<vmem>> -> memref<64x512xf32, #tpu.memory_space<vmem>>
        %get3A_234 = arith.index_cast %add3A_229 : i32 to index
        %get3A_235 = arith.index_cast %mul3A_178 : i32 to index
        %get3A_236 = tpu.vector_load %get3A_233[%get3A_234, %get3A_235] {strides = array<i32>} : memref<64x512xf32, #tpu.memory_space<vmem>>, vector<1x16xf32>,
        %get3A_237 = vector.shape_cast %get3A_236 : vector<1x16xf32> to vector<16xf32>
        %add3A_238 = arith.constant 6 : i32
        %add3A_239 = arith.addi %mul3A_166, %add3A_238 : i32
        %get3A_240 = arith.constant 0 : i32
        %get3A_241 = arith.constant 0 : i32
        %get3A_242 = tpu.memref_slice %arg4[%scan3A_118, %get3A_240, %get3A_241] : memref<2x64x512xf32, #tpu.memory_space<vmem>> -> memref<1x64x512xf32, #tpu.memory_space<vmem>>
        %get3A_243 = tpu.memref_squeeze %get3A_242 : memref<1x64x512xf32, #tpu.memory_space<vmem>> -> memref<64x512xf32, #tpu.memory_space<vmem>>
        %get3A_244 = arith.index_cast %add3A_239 : i32 to index
        %get3A_245 = arith.index_cast %mul3A_178 : i32 to index
        %get3A_246 = tpu.vector_load %get3A_243[%get3A_244, %get3A_245] {strides = array<i32>} : memref<64x512xf32, #tpu.memory_space<vmem>>, vector<1x16xf32>,
        %get3A_247 = vector.shape_cast %get3A_246 : vector<1x16xf32> to vector<16xf32>
        %add3A_248 = arith.constant 7 : i32
        %add3A_249 = arith.addi %mul3A_166, %add3A_248 : i32
        %get3A_250 = arith.constant 0 : i32
        %get3A_251 = arith.constant 0 : i32
        %get3A_252 = tpu.memref_slice %arg4[%scan3A_118, %get3A_250, %get3A_251] : memref<2x64x512xf32, #tpu.memory_space<vmem>> -> memref<1x64x512xf32, #tpu.memory_space<vmem>>
        %get3A_253 = tpu.memref_squeeze %get3A_252 : memref<1x64x512xf32, #tpu.memory_space<vmem>> -> memref<64x512xf32, #tpu.memory_space<vmem>>
        %get3A_254 = arith.index_cast %add3A_249 : i32 to index
        %get3A_255 = arith.index_cast %mul3A_178 : i32 to index
        %get3A_256 = tpu.vector_load %get3A_253[%get3A_254, %get3A_255] {strides = array<i32>} : memref<64x512xf32, #tpu.memory_space<vmem>>, vector<1x16xf32>,
        %get3A_257 = vector.shape_cast %get3A_256 : vector<1x16xf32> to vector<16xf32>
        %add3A_258 = arith.constant 8 : i32
        %add3A_259 = arith.addi %mul3A_166, %add3A_258 : i32
        %get3A_260 = arith.constant 0 : i32
        %get3A_261 = arith.constant 0 : i32
        %get3A_262 = tpu.memref_slice %arg4[%scan3A_118, %get3A_260, %get3A_261] : memref<2x64x512xf32, #tpu.memory_space<vmem>> -> memref<1x64x512xf32, #tpu.memory_space<vmem>>
        %get3A_263 = tpu.memref_squeeze %get3A_262 : memref<1x64x512xf32, #tpu.memory_space<vmem>> -> memref<64x512xf32, #tpu.memory_space<vmem>>
        %get3A_264 = arith.index_cast %add3A_259 : i32 to index
        %get3A_265 = arith.index_cast %mul3A_178 : i32 to index
        %get3A_266 = tpu.vector_load %get3A_263[%get3A_264, %get3A_265] {strides = array<i32>} : memref<64x512xf32, #tpu.memory_space<vmem>>, vector<1x16xf32>,
        %get3A_267 = vector.shape_cast %get3A_266 : vector<1x16xf32> to vector<16xf32>
        %add3A_268 = arith.constant 9 : i32
        %add3A_269 = arith.addi %mul3A_166, %add3A_268 : i32
        %get3A_270 = arith.constant 0 : i32
        %get3A_271 = arith.constant 0 : i32
        %get3A_272 = tpu.memref_slice %arg4[%scan3A_118, %get3A_270, %get3A_271] : memref<2x64x512xf32, #tpu.memory_space<vmem>> -> memref<1x64x512xf32, #tpu.memory_space<vmem>>
        %get3A_273 = tpu.memref_squeeze %get3A_272 : memref<1x64x512xf32, #tpu.memory_space<vmem>> -> memref<64x512xf32, #tpu.memory_space<vmem>>
        %get3A_274 = arith.index_cast %add3A_269 : i32 to index
        %get3A_275 = arith.index_cast %mul3A_178 : i32 to index
        %get3A_276 = tpu.vector_load %get3A_273[%get3A_274, %get3A_275] {strides = array<i32>} : memref<64x512xf32, #tpu.memory_space<vmem>>, vector<1x16xf32>,
        %get3A_277 = vector.shape_cast %get3A_276 : vector<1x16xf32> to vector<16xf32>
        %add3A_278 = arith.constant 10 : i32
        %add3A_279 = arith.addi %mul3A_166, %add3A_278 : i32
        %get3A_280 = arith.constant 0 : i32
        %get3A_281 = arith.constant 0 : i32
        %get3A_282 = tpu.memref_slice %arg4[%scan3A_118, %get3A_280, %get3A_281] : memref<2x64x512xf32, #tpu.memory_space<vmem>> -> memref<1x64x512xf32, #tpu.memory_space<vmem>>
        %get3A_283 = tpu.memref_squeeze %get3A_282 : memref<1x64x512xf32, #tpu.memory_space<vmem>> -> memref<64x512xf32, #tpu.memory_space<vmem>>
        %get3A_284 = arith.index_cast %add3A_279 : i32 to index
        %get3A_285 = arith.index_cast %mul3A_178 : i32 to index
        %get3A_286 = tpu.vector_load %get3A_283[%get3A_284, %get3A_285] {strides = array<i32>} : memref<64x512xf32, #tpu.memory_space<vmem>>, vector<1x16xf32>,
        %get3A_287 = vector.shape_cast %get3A_286 : vector<1x16xf32> to vector<16xf32>
        %add3A_288 = arith.constant 11 : i32
        %add3A_289 = arith.addi %mul3A_166, %add3A_288 : i32
        %get3A_290 = arith.constant 0 : i32
        %get3A_291 = arith.constant 0 : i32
        %get3A_292 = tpu.memref_slice %arg4[%scan3A_118, %get3A_290, %get3A_291] : memref<2x64x512xf32, #tpu.memory_space<vmem>> -> memref<1x64x512xf32, #tpu.memory_space<vmem>>
        %get3A_293 = tpu.memref_squeeze %get3A_292 : memref<1x64x512xf32, #tpu.memory_space<vmem>> -> memref<64x512xf32, #tpu.memory_space<vmem>>
        %get3A_294 = arith.index_cast %add3A_289 : i32 to index
        %get3A_295 = arith.index_cast %mul3A_178 : i32 to index
        %get3A_296 = tpu.vector_load %get3A_293[%get3A_294, %get3A_295] {strides = array<i32>} : memref<64x512xf32, #tpu.memory_space<vmem>>, vector<1x16xf32>,
        %get3A_297 = vector.shape_cast %get3A_296 : vector<1x16xf32> to vector<16xf32>
        %add3A_298 = arith.constant 12 : i32
        %add3A_299 = arith.addi %mul3A_166, %add3A_298 : i32
        %get3A_300 = arith.constant 0 : i32
        %get3A_301 = arith.constant 0 : i32
        %get3A_302 = tpu.memref_slice %arg4[%scan3A_118, %get3A_300, %get3A_301] : memref<2x64x512xf32, #tpu.memory_space<vmem>> -> memref<1x64x512xf32, #tpu.memory_space<vmem>>
        %get3A_303 = tpu.memref_squeeze %get3A_302 : memref<1x64x512xf32, #tpu.memory_space<vmem>> -> memref<64x512xf32, #tpu.memory_space<vmem>>
        %get3A_304 = arith.index_cast %add3A_299 : i32 to index
        %get3A_305 = arith.index_cast %mul3A_178 : i32 to index
        %get3A_306 = tpu.vector_load %get3A_303[%get3A_304, %get3A_305] {strides = array<i32>} : memref<64x512xf32, #tpu.memory_space<vmem>>, vector<1x16xf32>,
        %get3A_307 = vector.shape_cast %get3A_306 : vector<1x16xf32> to vector<16xf32>
        %add3A_308 = arith.constant 13 : i32
        %add3A_309 = arith.addi %mul3A_166, %add3A_308 : i32
        %get3A_310 = arith.constant 0 : i32
        %get3A_311 = arith.constant 0 : i32
        %get3A_312 = tpu.memref_slice %arg4[%scan3A_118, %get3A_310, %get3A_311] : memref<2x64x512xf32, #tpu.memory_space<vmem>> -> memref<1x64x512xf32, #tpu.memory_space<vmem>>
        %get3A_313 = tpu.memref_squeeze %get3A_312 : memref<1x64x512xf32, #tpu.memory_space<vmem>> -> memref<64x512xf32, #tpu.memory_space<vmem>>
        %get3A_314 = arith.index_cast %add3A_309 : i32 to index
        %get3A_315 = arith.index_cast %mul3A_178 : i32 to index
        %get3A_316 = tpu.vector_load %get3A_313[%get3A_314, %get3A_315] {strides = array<i32>} : memref<64x512xf32, #tpu.memory_space<vmem>>, vector<1x16xf32>,
        %get3A_317 = vector.shape_cast %get3A_316 : vector<1x16xf32> to vector<16xf32>
        %add3A_318 = arith.constant 14 : i32
        %add3A_319 = arith.addi %mul3A_166, %add3A_318 : i32
        %get3A_320 = arith.constant 0 : i32
        %get3A_321 = arith.constant 0 : i32
        %get3A_322 = tpu.memref_slice %arg4[%scan3A_118, %get3A_320, %get3A_321] : memref<2x64x512xf32, #tpu.memory_space<vmem>> -> memref<1x64x512xf32, #tpu.memory_space<vmem>>
        %get3A_323 = tpu.memref_squeeze %get3A_322 : memref<1x64x512xf32, #tpu.memory_space<vmem>> -> memref<64x512xf32, #tpu.memory_space<vmem>>
        %get3A_324 = arith.index_cast %add3A_319 : i32 to index
        %get3A_325 = arith.index_cast %mul3A_178 : i32 to index
        %get3A_326 = tpu.vector_load %get3A_323[%get3A_324, %get3A_325] {strides = array<i32>} : memref<64x512xf32, #tpu.memory_space<vmem>>, vector<1x16xf32>,
        %get3A_327 = vector.shape_cast %get3A_326 : vector<1x16xf32> to vector<16xf32>
        %add3A_328 = arith.constant 15 : i32
        %add3A_329 = arith.addi %mul3A_166, %add3A_328 : i32
        %get3A_330 = arith.constant 0 : i32
        %get3A_331 = arith.constant 0 : i32
        %get3A_332 = tpu.memref_slice %arg4[%scan3A_118, %get3A_330, %get3A_331] : memref<2x64x512xf32, #tpu.memory_space<vmem>> -> memref<1x64x512xf32, #tpu.memory_space<vmem>>
        %get3A_333 = tpu.memref_squeeze %get3A_332 : memref<1x64x512xf32, #tpu.memory_space<vmem>> -> memref<64x512xf32, #tpu.memory_space<vmem>>
        %get3A_334 = arith.index_cast %add3A_329 : i32 to index
        %get3A_335 = arith.index_cast %mul3A_178 : i32 to index
        %get3A_336 = tpu.vector_load %get3A_333[%get3A_334, %get3A_335] {strides = array<i32>} : memref<64x512xf32, #tpu.memory_space<vmem>>, vector<1x16xf32>,
        %get3A_337 = vector.shape_cast %get3A_336 : vector<1x16xf32> to vector<16xf32>
        %mul3A_338 = vector.broadcast %select_n3A_161 : f32 to vector<16xf32>
        %mul3A_339 = arith.mulf %get3A_337, %mul3A_338 : vector<16xf32>
        %add3A_340 = arith.addf %get3A_187, %get3A_197 : vector<16xf32>
        %add3A_341 = arith.addf %get3A_207, %get3A_217 : vector<16xf32>
        %add3A_342 = arith.addf %get3A_227, %get3A_237 : vector<16xf32>
        %add3A_343 = arith.addf %get3A_247, %get3A_257 : vector<16xf32>
        %add3A_344 = arith.addf %get3A_267, %get3A_277 : vector<16xf32>
        %add3A_345 = arith.addf %get3A_287, %get3A_297 : vector<16xf32>
        %add3A_346 = arith.addf %get3A_307, %get3A_317 : vector<16xf32>
        %add3A_347 = arith.addf %get3A_327, %mul3A_339 : vector<16xf32>
        %add3A_348 = arith.addf %add3A_340, %add3A_341 : vector<16xf32>
        %add3A_349 = arith.addf %add3A_342, %add3A_343 : vector<16xf32>
        %add3A_350 = arith.addf %add3A_344, %add3A_345 : vector<16xf32>
        %add3A_351 = arith.addf %add3A_346, %add3A_347 : vector<16xf32>
        %add3A_352 = arith.addf %add3A_348, %add3A_349 : vector<16xf32>
        %add3A_353 = arith.addf %add3A_350, %add3A_351 : vector<16xf32>
        %add3A_354 = arith.addf %add3A_352, %add3A_353 : vector<16xf32>
        %mul3A_355 = vector.broadcast %select_n3A_164 : f32 to vector<16xf32>
        %mul3A_356 = arith.mulf %add3A_354, %mul3A_355 : vector<16xf32>
        %swap3A = arith.index_cast %add3A_146 : i32 to index
        %swap3A_357 = arith.index_cast %mul3A_178 : i32 to index
        %swap3A_358 = tpu.vector_load %arg5[%swap3A, %swap3A_357] {strides = array<i32>} : memref<16x512xf32, #tpu.memory_space<vmem>>, vector<1x16xf32>,
        %swap3A_359 = vector.shape_cast %swap3A_358 : vector<1x16xf32> to vector<16xf32>
        %swap3A_360 = vector.shape_cast %mul3A_356 : vector<16xf32> to vector<1x16xf32>
        tpu.vector_store %arg5[%swap3A, %swap3A_357], %swap3A_360 {strides = array<i32>} : memref<16x512xf32, #tpu.memory_space<vmem>>, vector<1x16xf32>,
        %mul3A_361 = arith.constant 2 : i32
        %mul3A_362 = arith.muli %scan3A_172, %mul3A_361 : i32
        %add3A_363 = arith.constant 1 : i32
        %add3A_364 = arith.addi %mul3A_362, %add3A_363 : i32
        %mul3A_365 = arith.constant 16 : i32
        %mul3A_366 = arith.muli %add3A_364, %mul3A_365 : i32
        %add3A_367 = arith.constant 0 : i32
        %add3A_368 = arith.addi %mul3A_166, %add3A_367 : i32
        %get3A_369 = arith.constant 0 : i32
        %get3A_370 = arith.constant 0 : i32
        %get3A_371 = tpu.memref_slice %arg4[%scan3A_118, %get3A_369, %get3A_370] : memref<2x64x512xf32, #tpu.memory_space<vmem>> -> memref<1x64x512xf32, #tpu.memory_space<vmem>>
        %get3A_372 = tpu.memref_squeeze %get3A_371 : memref<1x64x512xf32, #tpu.memory_space<vmem>> -> memref<64x512xf32, #tpu.memory_space<vmem>>
        %get3A_373 = arith.index_cast %add3A_368 : i32 to index
        %get3A_374 = arith.index_cast %mul3A_366 : i32 to index
        %get3A_375 = tpu.vector_load %get3A_372[%get3A_373, %get3A_374] {strides = array<i32>} : memref<64x512xf32, #tpu.memory_space<vmem>>, vector<1x16xf32>,
        %get3A_376 = vector.shape_cast %get3A_375 : vector<1x16xf32> to vector<16xf32>
        %add3A_377 = arith.constant 1 : i32
        %add3A_378 = arith.addi %mul3A_166, %add3A_377 : i32
        %get3A_379 = arith.constant 0 : i32
        %get3A_380 = arith.constant 0 : i32
        %get3A_381 = tpu.memref_slice %arg4[%scan3A_118, %get3A_379, %get3A_380] : memref<2x64x512xf32, #tpu.memory_space<vmem>> -> memref<1x64x512xf32, #tpu.memory_space<vmem>>
        %get3A_382 = tpu.memref_squeeze %get3A_381 : memref<1x64x512xf32, #tpu.memory_space<vmem>> -> memref<64x512xf32, #tpu.memory_space<vmem>>
        %get3A_383 = arith.index_cast %add3A_378 : i32 to index
        %get3A_384 = arith.index_cast %mul3A_366 : i32 to index
        %get3A_385 = tpu.vector_load %get3A_382[%get3A_383, %get3A_384] {strides = array<i32>} : memref<64x512xf32, #tpu.memory_space<vmem>>, vector<1x16xf32>,
        %get3A_386 = vector.shape_cast %get3A_385 : vector<1x16xf32> to vector<16xf32>
        %add3A_387 = arith.constant 2 : i32
        %add3A_388 = arith.addi %mul3A_166, %add3A_387 : i32
        %get3A_389 = arith.constant 0 : i32
        %get3A_390 = arith.constant 0 : i32
        %get3A_391 = tpu.memref_slice %arg4[%scan3A_118, %get3A_389, %get3A_390] : memref<2x64x512xf32, #tpu.memory_space<vmem>> -> memref<1x64x512xf32, #tpu.memory_space<vmem>>
        %get3A_392 = tpu.memref_squeeze %get3A_391 : memref<1x64x512xf32, #tpu.memory_space<vmem>> -> memref<64x512xf32, #tpu.memory_space<vmem>>
        %get3A_393 = arith.index_cast %add3A_388 : i32 to index
        %get3A_394 = arith.index_cast %mul3A_366 : i32 to index
        %get3A_395 = tpu.vector_load %get3A_392[%get3A_393, %get3A_394] {strides = array<i32>} : memref<64x512xf32, #tpu.memory_space<vmem>>, vector<1x16xf32>,
        %get3A_396 = vector.shape_cast %get3A_395 : vector<1x16xf32> to vector<16xf32>
        %add3A_397 = arith.constant 3 : i32
        %add3A_398 = arith.addi %mul3A_166, %add3A_397 : i32
        %get3A_399 = arith.constant 0 : i32
        %get3A_400 = arith.constant 0 : i32
        %get3A_401 = tpu.memref_slice %arg4[%scan3A_118, %get3A_399, %get3A_400] : memref<2x64x512xf32, #tpu.memory_space<vmem>> -> memref<1x64x512xf32, #tpu.memory_space<vmem>>
        %get3A_402 = tpu.memref_squeeze %get3A_401 : memref<1x64x512xf32, #tpu.memory_space<vmem>> -> memref<64x512xf32, #tpu.memory_space<vmem>>
        %get3A_403 = arith.index_cast %add3A_398 : i32 to index
        %get3A_404 = arith.index_cast %mul3A_366 : i32 to index
        %get3A_405 = tpu.vector_load %get3A_402[%get3A_403, %get3A_404] {strides = array<i32>} : memref<64x512xf32, #tpu.memory_space<vmem>>, vector<1x16xf32>,
        %get3A_406 = vector.shape_cast %get3A_405 : vector<1x16xf32> to vector<16xf32>
        %add3A_407 = arith.constant 4 : i32
        %add3A_408 = arith.addi %mul3A_166, %add3A_407 : i32
        %get3A_409 = arith.constant 0 : i32
        %get3A_410 = arith.constant 0 : i32
        %get3A_411 = tpu.memref_slice %arg4[%scan3A_118, %get3A_409, %get3A_410] : memref<2x64x512xf32, #tpu.memory_space<vmem>> -> memref<1x64x512xf32, #tpu.memory_space<vmem>>
        %get3A_412 = tpu.memref_squeeze %get3A_411 : memref<1x64x512xf32, #tpu.memory_space<vmem>> -> memref<64x512xf32, #tpu.memory_space<vmem>>
        %get3A_413 = arith.index_cast %add3A_408 : i32 to index
        %get3A_414 = arith.index_cast %mul3A_366 : i32 to index
        %get3A_415 = tpu.vector_load %get3A_412[%get3A_413, %get3A_414] {strides = array<i32>} : memref<64x512xf32, #tpu.memory_space<vmem>>, vector<1x16xf32>,
        %get3A_416 = vector.shape_cast %get3A_415 : vector<1x16xf32> to vector<16xf32>
        %add3A_417 = arith.constant 5 : i32
        %add3A_418 = arith.addi %mul3A_166, %add3A_417 : i32
        %get3A_419 = arith.constant 0 : i32
        %get3A_420 = arith.constant 0 : i32
        %get3A_421 = tpu.memref_slice %arg4[%scan3A_118, %get3A_419, %get3A_420] : memref<2x64x512xf32, #tpu.memory_space<vmem>> -> memref<1x64x512xf32, #tpu.memory_space<vmem>>
        %get3A_422 = tpu.memref_squeeze %get3A_421 : memref<1x64x512xf32, #tpu.memory_space<vmem>> -> memref<64x512xf32, #tpu.memory_space<vmem>>
        %get3A_423 = arith.index_cast %add3A_418 : i32 to index
        %get3A_424 = arith.index_cast %mul3A_366 : i32 to index
        %get3A_425 = tpu.vector_load %get3A_422[%get3A_423, %get3A_424] {strides = array<i32>} : memref<64x512xf32, #tpu.memory_space<vmem>>, vector<1x16xf32>,
        %get3A_426 = vector.shape_cast %get3A_425 : vector<1x16xf32> to vector<16xf32>
        %add3A_427 = arith.constant 6 : i32
        %add3A_428 = arith.addi %mul3A_166, %add3A_427 : i32
        %get3A_429 = arith.constant 0 : i32
        %get3A_430 = arith.constant 0 : i32
        %get3A_431 = tpu.memref_slice %arg4[%scan3A_118, %get3A_429, %get3A_430] : memref<2x64x512xf32, #tpu.memory_space<vmem>> -> memref<1x64x512xf32, #tpu.memory_space<vmem>>
        %get3A_432 = tpu.memref_squeeze %get3A_431 : memref<1x64x512xf32, #tpu.memory_space<vmem>> -> memref<64x512xf32, #tpu.memory_space<vmem>>
        %get3A_433 = arith.index_cast %add3A_428 : i32 to index
        %get3A_434 = arith.index_cast %mul3A_366 : i32 to index
        %get3A_435 = tpu.vector_load %get3A_432[%get3A_433, %get3A_434] {strides = array<i32>} : memref<64x512xf32, #tpu.memory_space<vmem>>, vector<1x16xf32>,
        %get3A_436 = vector.shape_cast %get3A_435 : vector<1x16xf32> to vector<16xf32>
        %add3A_437 = arith.constant 7 : i32
        %add3A_438 = arith.addi %mul3A_166, %add3A_437 : i32
        %get3A_439 = arith.constant 0 : i32
        %get3A_440 = arith.constant 0 : i32
        %get3A_441 = tpu.memref_slice %arg4[%scan3A_118, %get3A_439, %get3A_440] : memref<2x64x512xf32, #tpu.memory_space<vmem>> -> memref<1x64x512xf32, #tpu.memory_space<vmem>>
        %get3A_442 = tpu.memref_squeeze %get3A_441 : memref<1x64x512xf32, #tpu.memory_space<vmem>> -> memref<64x512xf32, #tpu.memory_space<vmem>>
        %get3A_443 = arith.index_cast %add3A_438 : i32 to index
        %get3A_444 = arith.index_cast %mul3A_366 : i32 to index
        %get3A_445 = tpu.vector_load %get3A_442[%get3A_443, %get3A_444] {strides = array<i32>} : memref<64x512xf32, #tpu.memory_space<vmem>>, vector<1x16xf32>,
        %get3A_446 = vector.shape_cast %get3A_445 : vector<1x16xf32> to vector<16xf32>
        %add3A_447 = arith.constant 8 : i32
        %add3A_448 = arith.addi %mul3A_166, %add3A_447 : i32
        %get3A_449 = arith.constant 0 : i32
        %get3A_450 = arith.constant 0 : i32
        %get3A_451 = tpu.memref_slice %arg4[%scan3A_118, %get3A_449, %get3A_450] : memref<2x64x512xf32, #tpu.memory_space<vmem>> -> memref<1x64x512xf32, #tpu.memory_space<vmem>>
        %get3A_452 = tpu.memref_squeeze %get3A_451 : memref<1x64x512xf32, #tpu.memory_space<vmem>> -> memref<64x512xf32, #tpu.memory_space<vmem>>
        %get3A_453 = arith.index_cast %add3A_448 : i32 to index
        %get3A_454 = arith.index_cast %mul3A_366 : i32 to index
        %get3A_455 = tpu.vector_load %get3A_452[%get3A_453, %get3A_454] {strides = array<i32>} : memref<64x512xf32, #tpu.memory_space<vmem>>, vector<1x16xf32>,
        %get3A_456 = vector.shape_cast %get3A_455 : vector<1x16xf32> to vector<16xf32>
        %add3A_457 = arith.constant 9 : i32
        %add3A_458 = arith.addi %mul3A_166, %add3A_457 : i32
        %get3A_459 = arith.constant 0 : i32
        %get3A_460 = arith.constant 0 : i32
        %get3A_461 = tpu.memref_slice %arg4[%scan3A_118, %get3A_459, %get3A_460] : memref<2x64x512xf32, #tpu.memory_space<vmem>> -> memref<1x64x512xf32, #tpu.memory_space<vmem>>
        %get3A_462 = tpu.memref_squeeze %get3A_461 : memref<1x64x512xf32, #tpu.memory_space<vmem>> -> memref<64x512xf32, #tpu.memory_space<vmem>>
        %get3A_463 = arith.index_cast %add3A_458 : i32 to index
        %get3A_464 = arith.index_cast %mul3A_366 : i32 to index
        %get3A_465 = tpu.vector_load %get3A_462[%get3A_463, %get3A_464] {strides = array<i32>} : memref<64x512xf32, #tpu.memory_space<vmem>>, vector<1x16xf32>,
        %get3A_466 = vector.shape_cast %get3A_465 : vector<1x16xf32> to vector<16xf32>
        %add3A_467 = arith.constant 10 : i32
        %add3A_468 = arith.addi %mul3A_166, %add3A_467 : i32
        %get3A_469 = arith.constant 0 : i32
        %get3A_470 = arith.constant 0 : i32
        %get3A_471 = tpu.memref_slice %arg4[%scan3A_118, %get3A_469, %get3A_470] : memref<2x64x512xf32, #tpu.memory_space<vmem>> -> memref<1x64x512xf32, #tpu.memory_space<vmem>>
        %get3A_472 = tpu.memref_squeeze %get3A_471 : memref<1x64x512xf32, #tpu.memory_space<vmem>> -> memref<64x512xf32, #tpu.memory_space<vmem>>
        %get3A_473 = arith.index_cast %add3A_468 : i32 to index
        %get3A_474 = arith.index_cast %mul3A_366 : i32 to index
        %get3A_475 = tpu.vector_load %get3A_472[%get3A_473, %get3A_474] {strides = array<i32>} : memref<64x512xf32, #tpu.memory_space<vmem>>, vector<1x16xf32>,
        %get3A_476 = vector.shape_cast %get3A_475 : vector<1x16xf32> to vector<16xf32>
        %add3A_477 = arith.constant 11 : i32
        %add3A_478 = arith.addi %mul3A_166, %add3A_477 : i32
        %get3A_479 = arith.constant 0 : i32
        %get3A_480 = arith.constant 0 : i32
        %get3A_481 = tpu.memref_slice %arg4[%scan3A_118, %get3A_479, %get3A_480] : memref<2x64x512xf32, #tpu.memory_space<vmem>> -> memref<1x64x512xf32, #tpu.memory_space<vmem>>
        %get3A_482 = tpu.memref_squeeze %get3A_481 : memref<1x64x512xf32, #tpu.memory_space<vmem>> -> memref<64x512xf32, #tpu.memory_space<vmem>>
        %get3A_483 = arith.index_cast %add3A_478 : i32 to index
        %get3A_484 = arith.index_cast %mul3A_366 : i32 to index
        %get3A_485 = tpu.vector_load %get3A_482[%get3A_483, %get3A_484] {strides = array<i32>} : memref<64x512xf32, #tpu.memory_space<vmem>>, vector<1x16xf32>,
        %get3A_486 = vector.shape_cast %get3A_485 : vector<1x16xf32> to vector<16xf32>
        %add3A_487 = arith.constant 12 : i32
        %add3A_488 = arith.addi %mul3A_166, %add3A_487 : i32
        %get3A_489 = arith.constant 0 : i32
        %get3A_490 = arith.constant 0 : i32
        %get3A_491 = tpu.memref_slice %arg4[%scan3A_118, %get3A_489, %get3A_490] : memref<2x64x512xf32, #tpu.memory_space<vmem>> -> memref<1x64x512xf32, #tpu.memory_space<vmem>>
        %get3A_492 = tpu.memref_squeeze %get3A_491 : memref<1x64x512xf32, #tpu.memory_space<vmem>> -> memref<64x512xf32, #tpu.memory_space<vmem>>
        %get3A_493 = arith.index_cast %add3A_488 : i32 to index
        %get3A_494 = arith.index_cast %mul3A_366 : i32 to index
        %get3A_495 = tpu.vector_load %get3A_492[%get3A_493, %get3A_494] {strides = array<i32>} : memref<64x512xf32, #tpu.memory_space<vmem>>, vector<1x16xf32>,
        %get3A_496 = vector.shape_cast %get3A_495 : vector<1x16xf32> to vector<16xf32>
        %add3A_497 = arith.constant 13 : i32
        %add3A_498 = arith.addi %mul3A_166, %add3A_497 : i32
        %get3A_499 = arith.constant 0 : i32
        %get3A_500 = arith.constant 0 : i32
        %get3A_501 = tpu.memref_slice %arg4[%scan3A_118, %get3A_499, %get3A_500] : memref<2x64x512xf32, #tpu.memory_space<vmem>> -> memref<1x64x512xf32, #tpu.memory_space<vmem>>
        %get3A_502 = tpu.memref_squeeze %get3A_501 : memref<1x64x512xf32, #tpu.memory_space<vmem>> -> memref<64x512xf32, #tpu.memory_space<vmem>>
        %get3A_503 = arith.index_cast %add3A_498 : i32 to index
        %get3A_504 = arith.index_cast %mul3A_366 : i32 to index
        %get3A_505 = tpu.vector_load %get3A_502[%get3A_503, %get3A_504] {strides = array<i32>} : memref<64x512xf32, #tpu.memory_space<vmem>>, vector<1x16xf32>,
        %get3A_506 = vector.shape_cast %get3A_505 : vector<1x16xf32> to vector<16xf32>
        %add3A_507 = arith.constant 14 : i32
        %add3A_508 = arith.addi %mul3A_166, %add3A_507 : i32
        %get3A_509 = arith.constant 0 : i32
        %get3A_510 = arith.constant 0 : i32
        %get3A_511 = tpu.memref_slice %arg4[%scan3A_118, %get3A_509, %get3A_510] : memref<2x64x512xf32, #tpu.memory_space<vmem>> -> memref<1x64x512xf32, #tpu.memory_space<vmem>>
        %get3A_512 = tpu.memref_squeeze %get3A_511 : memref<1x64x512xf32, #tpu.memory_space<vmem>> -> memref<64x512xf32, #tpu.memory_space<vmem>>
        %get3A_513 = arith.index_cast %add3A_508 : i32 to index
        %get3A_514 = arith.index_cast %mul3A_366 : i32 to index
        %get3A_515 = tpu.vector_load %get3A_512[%get3A_513, %get3A_514] {strides = array<i32>} : memref<64x512xf32, #tpu.memory_space<vmem>>, vector<1x16xf32>,
        %get3A_516 = vector.shape_cast %get3A_515 : vector<1x16xf32> to vector<16xf32>
        %add3A_517 = arith.constant 15 : i32
        %add3A_518 = arith.addi %mul3A_166, %add3A_517 : i32
        %get3A_519 = arith.constant 0 : i32
        %get3A_520 = arith.constant 0 : i32
        %get3A_521 = tpu.memref_slice %arg4[%scan3A_118, %get3A_519, %get3A_520] : memref<2x64x512xf32, #tpu.memory_space<vmem>> -> memref<1x64x512xf32, #tpu.memory_space<vmem>>
        %get3A_522 = tpu.memref_squeeze %get3A_521 : memref<1x64x512xf32, #tpu.memory_space<vmem>> -> memref<64x512xf32, #tpu.memory_space<vmem>>
        %get3A_523 = arith.index_cast %add3A_518 : i32 to index
        %get3A_524 = arith.index_cast %mul3A_366 : i32 to index
        %get3A_525 = tpu.vector_load %get3A_522[%get3A_523, %get3A_524] {strides = array<i32>} : memref<64x512xf32, #tpu.memory_space<vmem>>, vector<1x16xf32>,
        %get3A_526 = vector.shape_cast %get3A_525 : vector<1x16xf32> to vector<16xf32>
        %mul3A_527 = vector.broadcast %select_n3A_161 : f32 to vector<16xf32>
        %mul3A_528 = arith.mulf %get3A_526, %mul3A_527 : vector<16xf32>
        %add3A_529 = arith.addf %get3A_376, %get3A_386 : vector<16xf32>
        %add3A_530 = arith.addf %get3A_396, %get3A_406 : vector<16xf32>
        %add3A_531 = arith.addf %get3A_416, %get3A_426 : vector<16xf32>
        %add3A_532 = arith.addf %get3A_436, %get3A_446 : vector<16xf32>
        %add3A_533 = arith.addf %get3A_456, %get3A_466 : vector<16xf32>
        %add3A_534 = arith.addf %get3A_476, %get3A_486 : vector<16xf32>
        %add3A_535 = arith.addf %get3A_496, %get3A_506 : vector<16xf32>
        %add3A_536 = arith.addf %get3A_516, %mul3A_528 : vector<16xf32>
        %add3A_537 = arith.addf %add3A_529, %add3A_530 : vector<16xf32>
        %add3A_538 = arith.addf %add3A_531, %add3A_532 : vector<16xf32>
        %add3A_539 = arith.addf %add3A_533, %add3A_534 : vector<16xf32>
        %add3A_540 = arith.addf %add3A_535, %add3A_536 : vector<16xf32>
        %add3A_541 = arith.addf %add3A_537, %add3A_538 : vector<16xf32>
        %add3A_542 = arith.addf %add3A_539, %add3A_540 : vector<16xf32>
        %add3A_543 = arith.addf %add3A_541, %add3A_542 : vector<16xf32>
        %mul3A_544 = vector.broadcast %select_n3A_164 : f32 to vector<16xf32>
        %mul3A_545 = arith.mulf %add3A_543, %mul3A_544 : vector<16xf32>
        %swap3A_546 = arith.index_cast %add3A_146 : i32 to index
        %swap3A_547 = arith.index_cast %mul3A_366 : i32 to index
        %swap3A_548 = tpu.vector_load %arg5[%swap3A_546, %swap3A_547] {strides = array<i32>} : memref<16x512xf32, #tpu.memory_space<vmem>>, vector<1x16xf32>,
        %swap3A_549 = vector.shape_cast %swap3A_548 : vector<1x16xf32> to vector<16xf32>
        %swap3A_550 = vector.shape_cast %mul3A_545 : vector<16xf32> to vector<1x16xf32>
        tpu.vector_store %arg5[%swap3A_546, %swap3A_547], %swap3A_550 {strides = array<i32>} : memref<16x512xf32, #tpu.memory_space<vmem>>, vector<1x16xf32>,
      }
      %scan3A_171 = arith.constant 16 : i32
    }
    %scan3A_123 = arith.constant 4 : i32
    %dma_wait3A_124 = arith.constant 1 : i32
    %dma_wait3A_125 = arith.constant 0 : i32
    %dma_wait3A_126 = arith.constant 0 : i32
    %dma_wait3A_127 = tpu.memref_slice %arg4[%dma_wait3A_124, %dma_wait3A_125, %dma_wait3A_126] : memref<2x64x512xf32, #tpu.memory_space<vmem>> -> memref<1x64x512xf32, #tpu.memory_space<vmem>>
    %dma_wait3A_128 = tpu.memref_squeeze %dma_wait3A_127 : memref<1x64x512xf32, #tpu.memory_space<vmem>> -> memref<64x512xf32, #tpu.memory_space<vmem>>
    %dma_wait3A_129 = arith.constant 0 : i32
    %dma_wait3A_130 = tpu.memref_slice %arg2[%add3A_103, %dma_wait3A_129] : memref<32768x512xf32, #tpu.memory_space<hbm>> -> memref<64x512xf32, #tpu.memory_space<hbm>>
    %dma_wait3A_131 = arith.constant 0 : i32
    %dma_wait3A_132 = arith.constant 0 : i32
    %dma_wait3A_133 = tpu.memref_slice %arg4[%dma_wait3A_124, %dma_wait3A_131, %dma_wait3A_132] : memref<2x64x512xf32, #tpu.memory_space<vmem>> -> memref<1x64x512xf32, #tpu.memory_space<vmem>>
    %dma_wait3A_134 = tpu.memref_squeeze %dma_wait3A_133 : memref<1x64x512xf32, #tpu.memory_space<vmem>> -> memref<64x512xf32, #tpu.memory_space<vmem>>
    %dma_wait3A_135 = arith.constant 0 : i32
    %dma_wait3A_136 = tpu.memref_slice %arg2[%add3A_103, %dma_wait3A_135] : memref<32768x512xf32, #tpu.memory_space<hbm>> -> memref<64x512xf32, #tpu.memory_space<hbm>>
    tpu.wait_dma2 semaphore(%arg7 : memref<!tpu.dma_semaphore, #tpu.memory_space<semaphore_mem>>) src(%dma_wait3A_136 : memref<64x512xf32, #tpu.memory_space<hbm>>) dst(%dma_wait3A_134 : memref<64x512xf32, #tpu.memory_space<vmem>>)
    %scan3A_137 = arith.constant 0 : i32
    %scan3A_138 = arith.constant 1 : i32
    %scan3A_139 = arith.constant 0 : i32
    %scan3A_140 = arith.constant 4 : i32
    %scan3A_141 = arith.addi %scan3A_139, %scan3A_140 : i32
    %scan3A_142 = arith.constant 1 : i32
    scf.for %scan3A_144 = %scan3A_139 to %scan3A_141 step %scan3A_142  : i32 {
      %add3A_145 = arith.constant 12 : i32
      %add3A_146 = arith.addi %add3A_145, %scan3A_144 : i32
      %add3A_147 = arith.addi %mul3A_2, %add3A_146 : i32
      %jit3A = arith.constant 128 : i32
      %eq3A = arith.constant 0 : i32
      %eq3A_148 = arith.cmpi eq, %jit3A, %eq3A : i32
      %jit3A_149 = arith.constant 1 : i32
      %select_n3A = arith.select %eq3A_148, %jit3A_149, %jit3A : i32
      %rem3A = arith.remsi %add3A_147, %select_n3A : i32
      %ne3A = arith.constant 0 : i32
      %ne3A_150 = arith.cmpi ne, %rem3A, %ne3A : i32
      %lt3A = arith.constant 0 : i32
      %lt3A_151 = arith.cmpi slt, %rem3A, %lt3A : i32
      %lt3A_152 = arith.constant 0 : i32
      %lt3A_153 = arith.cmpi slt, %select_n3A, %lt3A_152 : i32
      %ne3A_154 = arith.xori %lt3A_151, %lt3A_153 : i1
      %and3A = arith.andi %ne3A_154, %ne3A_150 : i1
      %add3A_155 = arith.addi %rem3A, %select_n3A : i32
      %select_n3A_156 = arith.select %and3A, %add3A_155, %rem3A : i32
      %eq3A_157 = arith.constant 127 : i32
      %eq3A_158 = arith.cmpi eq, %select_n3A_156, %eq3A_157 : i32
      %jit3A_159 = arith.constant 0.000000e+00 : f32
      %jit3A_160 = arith.constant 1.000000e+00 : f32
      %select_n3A_161 = arith.select %eq3A_158, %jit3A_159, %jit3A_160 : f32
      %jit3A_162 = arith.constant 0.0666666701 : f32
      %jit3A_163 = arith.constant 6.250000e-02 : f32
      %select_n3A_164 = arith.select %eq3A_158, %jit3A_162, %jit3A_163 : f32
      %mul3A_165 = arith.constant 16 : i32
      %mul3A_166 = arith.muli %scan3A_144, %mul3A_165 : i32
      %scan3A_167 = arith.constant 0 : i32
      %scan3A_168 = arith.constant 16 : i32
      %scan3A_169 = arith.addi %scan3A_167, %scan3A_168 : i32
      %scan3A_170 = arith.constant 1 : i32
      scf.for %scan3A_172 = %scan3A_167 to %scan3A_169 step %scan3A_170  : i32 {
        %mul3A_173 = arith.constant 2 : i32
        %mul3A_174 = arith.muli %scan3A_172, %mul3A_173 : i32
        %add3A_175 = arith.constant 0 : i32
        %add3A_176 = arith.addi %mul3A_174, %add3A_175 : i32
        %mul3A_177 = arith.constant 16 : i32
        %mul3A_178 = arith.muli %add3A_176, %mul3A_177 : i32
        %add3A_179 = arith.constant 0 : i32
        %add3A_180 = arith.addi %mul3A_166, %add3A_179 : i32
        %get3A = arith.constant 0 : i32
        %get3A_181 = arith.constant 0 : i32
        %get3A_182 = tpu.memref_slice %arg4[%scan3A_138, %get3A, %get3A_181] : memref<2x64x512xf32, #tpu.memory_space<vmem>> -> memref<1x64x512xf32, #tpu.memory_space<vmem>>
        %get3A_183 = tpu.memref_squeeze %get3A_182 : memref<1x64x512xf32, #tpu.memory_space<vmem>> -> memref<64x512xf32, #tpu.memory_space<vmem>>
        %get3A_184 = arith.index_cast %add3A_180 : i32 to index
        %get3A_185 = arith.index_cast %mul3A_178 : i32 to index
        %get3A_186 = tpu.vector_load %get3A_183[%get3A_184, %get3A_185] {strides = array<i32>} : memref<64x512xf32, #tpu.memory_space<vmem>>, vector<1x16xf32>,
        %get3A_187 = vector.shape_cast %get3A_186 : vector<1x16xf32> to vector<16xf32>
        %add3A_188 = arith.constant 1 : i32
        %add3A_189 = arith.addi %mul3A_166, %add3A_188 : i32
        %get3A_190 = arith.constant 0 : i32
        %get3A_191 = arith.constant 0 : i32
        %get3A_192 = tpu.memref_slice %arg4[%scan3A_138, %get3A_190, %get3A_191] : memref<2x64x512xf32, #tpu.memory_space<vmem>> -> memref<1x64x512xf32, #tpu.memory_space<vmem>>
        %get3A_193 = tpu.memref_squeeze %get3A_192 : memref<1x64x512xf32, #tpu.memory_space<vmem>> -> memref<64x512xf32, #tpu.memory_space<vmem>>
        %get3A_194 = arith.index_cast %add3A_189 : i32 to index
        %get3A_195 = arith.index_cast %mul3A_178 : i32 to index
        %get3A_196 = tpu.vector_load %get3A_193[%get3A_194, %get3A_195] {strides = array<i32>} : memref<64x512xf32, #tpu.memory_space<vmem>>, vector<1x16xf32>,
        %get3A_197 = vector.shape_cast %get3A_196 : vector<1x16xf32> to vector<16xf32>
        %add3A_198 = arith.constant 2 : i32
        %add3A_199 = arith.addi %mul3A_166, %add3A_198 : i32
        %get3A_200 = arith.constant 0 : i32
        %get3A_201 = arith.constant 0 : i32
        %get3A_202 = tpu.memref_slice %arg4[%scan3A_138, %get3A_200, %get3A_201] : memref<2x64x512xf32, #tpu.memory_space<vmem>> -> memref<1x64x512xf32, #tpu.memory_space<vmem>>
        %get3A_203 = tpu.memref_squeeze %get3A_202 : memref<1x64x512xf32, #tpu.memory_space<vmem>> -> memref<64x512xf32, #tpu.memory_space<vmem>>
        %get3A_204 = arith.index_cast %add3A_199 : i32 to index
        %get3A_205 = arith.index_cast %mul3A_178 : i32 to index
        %get3A_206 = tpu.vector_load %get3A_203[%get3A_204, %get3A_205] {strides = array<i32>} : memref<64x512xf32, #tpu.memory_space<vmem>>, vector<1x16xf32>,
        %get3A_207 = vector.shape_cast %get3A_206 : vector<1x16xf32> to vector<16xf32>
        %add3A_208 = arith.constant 3 : i32
        %add3A_209 = arith.addi %mul3A_166, %add3A_208 : i32
        %get3A_210 = arith.constant 0 : i32
        %get3A_211 = arith.constant 0 : i32
        %get3A_212 = tpu.memref_slice %arg4[%scan3A_138, %get3A_210, %get3A_211] : memref<2x64x512xf32, #tpu.memory_space<vmem>> -> memref<1x64x512xf32, #tpu.memory_space<vmem>>
        %get3A_213 = tpu.memref_squeeze %get3A_212 : memref<1x64x512xf32, #tpu.memory_space<vmem>> -> memref<64x512xf32, #tpu.memory_space<vmem>>
        %get3A_214 = arith.index_cast %add3A_209 : i32 to index
        %get3A_215 = arith.index_cast %mul3A_178 : i32 to index
        %get3A_216 = tpu.vector_load %get3A_213[%get3A_214, %get3A_215] {strides = array<i32>} : memref<64x512xf32, #tpu.memory_space<vmem>>, vector<1x16xf32>,
        %get3A_217 = vector.shape_cast %get3A_216 : vector<1x16xf32> to vector<16xf32>
        %add3A_218 = arith.constant 4 : i32
        %add3A_219 = arith.addi %mul3A_166, %add3A_218 : i32
        %get3A_220 = arith.constant 0 : i32
        %get3A_221 = arith.constant 0 : i32
        %get3A_222 = tpu.memref_slice %arg4[%scan3A_138, %get3A_220, %get3A_221] : memref<2x64x512xf32, #tpu.memory_space<vmem>> -> memref<1x64x512xf32, #tpu.memory_space<vmem>>
        %get3A_223 = tpu.memref_squeeze %get3A_222 : memref<1x64x512xf32, #tpu.memory_space<vmem>> -> memref<64x512xf32, #tpu.memory_space<vmem>>
        %get3A_224 = arith.index_cast %add3A_219 : i32 to index
        %get3A_225 = arith.index_cast %mul3A_178 : i32 to index
        %get3A_226 = tpu.vector_load %get3A_223[%get3A_224, %get3A_225] {strides = array<i32>} : memref<64x512xf32, #tpu.memory_space<vmem>>, vector<1x16xf32>,
        %get3A_227 = vector.shape_cast %get3A_226 : vector<1x16xf32> to vector<16xf32>
        %add3A_228 = arith.constant 5 : i32
        %add3A_229 = arith.addi %mul3A_166, %add3A_228 : i32
        %get3A_230 = arith.constant 0 : i32
        %get3A_231 = arith.constant 0 : i32
        %get3A_232 = tpu.memref_slice %arg4[%scan3A_138, %get3A_230, %get3A_231] : memref<2x64x512xf32, #tpu.memory_space<vmem>> -> memref<1x64x512xf32, #tpu.memory_space<vmem>>
        %get3A_233 = tpu.memref_squeeze %get3A_232 : memref<1x64x512xf32, #tpu.memory_space<vmem>> -> memref<64x512xf32, #tpu.memory_space<vmem>>
        %get3A_234 = arith.index_cast %add3A_229 : i32 to index
        %get3A_235 = arith.index_cast %mul3A_178 : i32 to index
        %get3A_236 = tpu.vector_load %get3A_233[%get3A_234, %get3A_235] {strides = array<i32>} : memref<64x512xf32, #tpu.memory_space<vmem>>, vector<1x16xf32>,
        %get3A_237 = vector.shape_cast %get3A_236 : vector<1x16xf32> to vector<16xf32>
        %add3A_238 = arith.constant 6 : i32
        %add3A_239 = arith.addi %mul3A_166, %add3A_238 : i32
        %get3A_240 = arith.constant 0 : i32
        %get3A_241 = arith.constant 0 : i32
        %get3A_242 = tpu.memref_slice %arg4[%scan3A_138, %get3A_240, %get3A_241] : memref<2x64x512xf32, #tpu.memory_space<vmem>> -> memref<1x64x512xf32, #tpu.memory_space<vmem>>
        %get3A_243 = tpu.memref_squeeze %get3A_242 : memref<1x64x512xf32, #tpu.memory_space<vmem>> -> memref<64x512xf32, #tpu.memory_space<vmem>>
        %get3A_244 = arith.index_cast %add3A_239 : i32 to index
        %get3A_245 = arith.index_cast %mul3A_178 : i32 to index
        %get3A_246 = tpu.vector_load %get3A_243[%get3A_244, %get3A_245] {strides = array<i32>} : memref<64x512xf32, #tpu.memory_space<vmem>>, vector<1x16xf32>,
        %get3A_247 = vector.shape_cast %get3A_246 : vector<1x16xf32> to vector<16xf32>
        %add3A_248 = arith.constant 7 : i32
        %add3A_249 = arith.addi %mul3A_166, %add3A_248 : i32
        %get3A_250 = arith.constant 0 : i32
        %get3A_251 = arith.constant 0 : i32
        %get3A_252 = tpu.memref_slice %arg4[%scan3A_138, %get3A_250, %get3A_251] : memref<2x64x512xf32, #tpu.memory_space<vmem>> -> memref<1x64x512xf32, #tpu.memory_space<vmem>>
        %get3A_253 = tpu.memref_squeeze %get3A_252 : memref<1x64x512xf32, #tpu.memory_space<vmem>> -> memref<64x512xf32, #tpu.memory_space<vmem>>
        %get3A_254 = arith.index_cast %add3A_249 : i32 to index
        %get3A_255 = arith.index_cast %mul3A_178 : i32 to index
        %get3A_256 = tpu.vector_load %get3A_253[%get3A_254, %get3A_255] {strides = array<i32>} : memref<64x512xf32, #tpu.memory_space<vmem>>, vector<1x16xf32>,
        %get3A_257 = vector.shape_cast %get3A_256 : vector<1x16xf32> to vector<16xf32>
        %add3A_258 = arith.constant 8 : i32
        %add3A_259 = arith.addi %mul3A_166, %add3A_258 : i32
        %get3A_260 = arith.constant 0 : i32
        %get3A_261 = arith.constant 0 : i32
        %get3A_262 = tpu.memref_slice %arg4[%scan3A_138, %get3A_260, %get3A_261] : memref<2x64x512xf32, #tpu.memory_space<vmem>> -> memref<1x64x512xf32, #tpu.memory_space<vmem>>
        %get3A_263 = tpu.memref_squeeze %get3A_262 : memref<1x64x512xf32, #tpu.memory_space<vmem>> -> memref<64x512xf32, #tpu.memory_space<vmem>>
        %get3A_264 = arith.index_cast %add3A_259 : i32 to index
        %get3A_265 = arith.index_cast %mul3A_178 : i32 to index
        %get3A_266 = tpu.vector_load %get3A_263[%get3A_264, %get3A_265] {strides = array<i32>} : memref<64x512xf32, #tpu.memory_space<vmem>>, vector<1x16xf32>,
        %get3A_267 = vector.shape_cast %get3A_266 : vector<1x16xf32> to vector<16xf32>
        %add3A_268 = arith.constant 9 : i32
        %add3A_269 = arith.addi %mul3A_166, %add3A_268 : i32
        %get3A_270 = arith.constant 0 : i32
        %get3A_271 = arith.constant 0 : i32
        %get3A_272 = tpu.memref_slice %arg4[%scan3A_138, %get3A_270, %get3A_271] : memref<2x64x512xf32, #tpu.memory_space<vmem>> -> memref<1x64x512xf32, #tpu.memory_space<vmem>>
        %get3A_273 = tpu.memref_squeeze %get3A_272 : memref<1x64x512xf32, #tpu.memory_space<vmem>> -> memref<64x512xf32, #tpu.memory_space<vmem>>
        %get3A_274 = arith.index_cast %add3A_269 : i32 to index
        %get3A_275 = arith.index_cast %mul3A_178 : i32 to index
        %get3A_276 = tpu.vector_load %get3A_273[%get3A_274, %get3A_275] {strides = array<i32>} : memref<64x512xf32, #tpu.memory_space<vmem>>, vector<1x16xf32>,
        %get3A_277 = vector.shape_cast %get3A_276 : vector<1x16xf32> to vector<16xf32>
        %add3A_278 = arith.constant 10 : i32
        %add3A_279 = arith.addi %mul3A_166, %add3A_278 : i32
        %get3A_280 = arith.constant 0 : i32
        %get3A_281 = arith.constant 0 : i32
        %get3A_282 = tpu.memref_slice %arg4[%scan3A_138, %get3A_280, %get3A_281] : memref<2x64x512xf32, #tpu.memory_space<vmem>> -> memref<1x64x512xf32, #tpu.memory_space<vmem>>
        %get3A_283 = tpu.memref_squeeze %get3A_282 : memref<1x64x512xf32, #tpu.memory_space<vmem>> -> memref<64x512xf32, #tpu.memory_space<vmem>>
        %get3A_284 = arith.index_cast %add3A_279 : i32 to index
        %get3A_285 = arith.index_cast %mul3A_178 : i32 to index
        %get3A_286 = tpu.vector_load %get3A_283[%get3A_284, %get3A_285] {strides = array<i32>} : memref<64x512xf32, #tpu.memory_space<vmem>>, vector<1x16xf32>,
        %get3A_287 = vector.shape_cast %get3A_286 : vector<1x16xf32> to vector<16xf32>
        %add3A_288 = arith.constant 11 : i32
        %add3A_289 = arith.addi %mul3A_166, %add3A_288 : i32
        %get3A_290 = arith.constant 0 : i32
        %get3A_291 = arith.constant 0 : i32
        %get3A_292 = tpu.memref_slice %arg4[%scan3A_138, %get3A_290, %get3A_291] : memref<2x64x512xf32, #tpu.memory_space<vmem>> -> memref<1x64x512xf32, #tpu.memory_space<vmem>>
        %get3A_293 = tpu.memref_squeeze %get3A_292 : memref<1x64x512xf32, #tpu.memory_space<vmem>> -> memref<64x512xf32, #tpu.memory_space<vmem>>
        %get3A_294 = arith.index_cast %add3A_289 : i32 to index
        %get3A_295 = arith.index_cast %mul3A_178 : i32 to index
        %get3A_296 = tpu.vector_load %get3A_293[%get3A_294, %get3A_295] {strides = array<i32>} : memref<64x512xf32, #tpu.memory_space<vmem>>, vector<1x16xf32>,
        %get3A_297 = vector.shape_cast %get3A_296 : vector<1x16xf32> to vector<16xf32>
        %add3A_298 = arith.constant 12 : i32
        %add3A_299 = arith.addi %mul3A_166, %add3A_298 : i32
        %get3A_300 = arith.constant 0 : i32
        %get3A_301 = arith.constant 0 : i32
        %get3A_302 = tpu.memref_slice %arg4[%scan3A_138, %get3A_300, %get3A_301] : memref<2x64x512xf32, #tpu.memory_space<vmem>> -> memref<1x64x512xf32, #tpu.memory_space<vmem>>
        %get3A_303 = tpu.memref_squeeze %get3A_302 : memref<1x64x512xf32, #tpu.memory_space<vmem>> -> memref<64x512xf32, #tpu.memory_space<vmem>>
        %get3A_304 = arith.index_cast %add3A_299 : i32 to index
        %get3A_305 = arith.index_cast %mul3A_178 : i32 to index
        %get3A_306 = tpu.vector_load %get3A_303[%get3A_304, %get3A_305] {strides = array<i32>} : memref<64x512xf32, #tpu.memory_space<vmem>>, vector<1x16xf32>,
        %get3A_307 = vector.shape_cast %get3A_306 : vector<1x16xf32> to vector<16xf32>
        %add3A_308 = arith.constant 13 : i32
        %add3A_309 = arith.addi %mul3A_166, %add3A_308 : i32
        %get3A_310 = arith.constant 0 : i32
        %get3A_311 = arith.constant 0 : i32
        %get3A_312 = tpu.memref_slice %arg4[%scan3A_138, %get3A_310, %get3A_311] : memref<2x64x512xf32, #tpu.memory_space<vmem>> -> memref<1x64x512xf32, #tpu.memory_space<vmem>>
        %get3A_313 = tpu.memref_squeeze %get3A_312 : memref<1x64x512xf32, #tpu.memory_space<vmem>> -> memref<64x512xf32, #tpu.memory_space<vmem>>
        %get3A_314 = arith.index_cast %add3A_309 : i32 to index
        %get3A_315 = arith.index_cast %mul3A_178 : i32 to index
        %get3A_316 = tpu.vector_load %get3A_313[%get3A_314, %get3A_315] {strides = array<i32>} : memref<64x512xf32, #tpu.memory_space<vmem>>, vector<1x16xf32>,
        %get3A_317 = vector.shape_cast %get3A_316 : vector<1x16xf32> to vector<16xf32>
        %add3A_318 = arith.constant 14 : i32
        %add3A_319 = arith.addi %mul3A_166, %add3A_318 : i32
        %get3A_320 = arith.constant 0 : i32
        %get3A_321 = arith.constant 0 : i32
        %get3A_322 = tpu.memref_slice %arg4[%scan3A_138, %get3A_320, %get3A_321] : memref<2x64x512xf32, #tpu.memory_space<vmem>> -> memref<1x64x512xf32, #tpu.memory_space<vmem>>
        %get3A_323 = tpu.memref_squeeze %get3A_322 : memref<1x64x512xf32, #tpu.memory_space<vmem>> -> memref<64x512xf32, #tpu.memory_space<vmem>>
        %get3A_324 = arith.index_cast %add3A_319 : i32 to index
        %get3A_325 = arith.index_cast %mul3A_178 : i32 to index
        %get3A_326 = tpu.vector_load %get3A_323[%get3A_324, %get3A_325] {strides = array<i32>} : memref<64x512xf32, #tpu.memory_space<vmem>>, vector<1x16xf32>,
        %get3A_327 = vector.shape_cast %get3A_326 : vector<1x16xf32> to vector<16xf32>
        %add3A_328 = arith.constant 15 : i32
        %add3A_329 = arith.addi %mul3A_166, %add3A_328 : i32
        %get3A_330 = arith.constant 0 : i32
        %get3A_331 = arith.constant 0 : i32
        %get3A_332 = tpu.memref_slice %arg4[%scan3A_138, %get3A_330, %get3A_331] : memref<2x64x512xf32, #tpu.memory_space<vmem>> -> memref<1x64x512xf32, #tpu.memory_space<vmem>>
        %get3A_333 = tpu.memref_squeeze %get3A_332 : memref<1x64x512xf32, #tpu.memory_space<vmem>> -> memref<64x512xf32, #tpu.memory_space<vmem>>
        %get3A_334 = arith.index_cast %add3A_329 : i32 to index
        %get3A_335 = arith.index_cast %mul3A_178 : i32 to index
        %get3A_336 = tpu.vector_load %get3A_333[%get3A_334, %get3A_335] {strides = array<i32>} : memref<64x512xf32, #tpu.memory_space<vmem>>, vector<1x16xf32>,
        %get3A_337 = vector.shape_cast %get3A_336 : vector<1x16xf32> to vector<16xf32>
        %mul3A_338 = vector.broadcast %select_n3A_161 : f32 to vector<16xf32>
        %mul3A_339 = arith.mulf %get3A_337, %mul3A_338 : vector<16xf32>
        %add3A_340 = arith.addf %get3A_187, %get3A_197 : vector<16xf32>
        %add3A_341 = arith.addf %get3A_207, %get3A_217 : vector<16xf32>
        %add3A_342 = arith.addf %get3A_227, %get3A_237 : vector<16xf32>
        %add3A_343 = arith.addf %get3A_247, %get3A_257 : vector<16xf32>
        %add3A_344 = arith.addf %get3A_267, %get3A_277 : vector<16xf32>
        %add3A_345 = arith.addf %get3A_287, %get3A_297 : vector<16xf32>
        %add3A_346 = arith.addf %get3A_307, %get3A_317 : vector<16xf32>
        %add3A_347 = arith.addf %get3A_327, %mul3A_339 : vector<16xf32>
        %add3A_348 = arith.addf %add3A_340, %add3A_341 : vector<16xf32>
        %add3A_349 = arith.addf %add3A_342, %add3A_343 : vector<16xf32>
        %add3A_350 = arith.addf %add3A_344, %add3A_345 : vector<16xf32>
        %add3A_351 = arith.addf %add3A_346, %add3A_347 : vector<16xf32>
        %add3A_352 = arith.addf %add3A_348, %add3A_349 : vector<16xf32>
        %add3A_353 = arith.addf %add3A_350, %add3A_351 : vector<16xf32>
        %add3A_354 = arith.addf %add3A_352, %add3A_353 : vector<16xf32>
        %mul3A_355 = vector.broadcast %select_n3A_164 : f32 to vector<16xf32>
        %mul3A_356 = arith.mulf %add3A_354, %mul3A_355 : vector<16xf32>
        %swap3A = arith.index_cast %add3A_146 : i32 to index
        %swap3A_357 = arith.index_cast %mul3A_178 : i32 to index
        %swap3A_358 = tpu.vector_load %arg5[%swap3A, %swap3A_357] {strides = array<i32>} : memref<16x512xf32, #tpu.memory_space<vmem>>, vector<1x16xf32>,
        %swap3A_359 = vector.shape_cast %swap3A_358 : vector<1x16xf32> to vector<16xf32>
        %swap3A_360 = vector.shape_cast %mul3A_356 : vector<16xf32> to vector<1x16xf32>
        tpu.vector_store %arg5[%swap3A, %swap3A_357], %swap3A_360 {strides = array<i32>} : memref<16x512xf32, #tpu.memory_space<vmem>>, vector<1x16xf32>,
        %mul3A_361 = arith.constant 2 : i32
        %mul3A_362 = arith.muli %scan3A_172, %mul3A_361 : i32
        %add3A_363 = arith.constant 1 : i32
        %add3A_364 = arith.addi %mul3A_362, %add3A_363 : i32
        %mul3A_365 = arith.constant 16 : i32
        %mul3A_366 = arith.muli %add3A_364, %mul3A_365 : i32
        %add3A_367 = arith.constant 0 : i32
        %add3A_368 = arith.addi %mul3A_166, %add3A_367 : i32
        %get3A_369 = arith.constant 0 : i32
        %get3A_370 = arith.constant 0 : i32
        %get3A_371 = tpu.memref_slice %arg4[%scan3A_138, %get3A_369, %get3A_370] : memref<2x64x512xf32, #tpu.memory_space<vmem>> -> memref<1x64x512xf32, #tpu.memory_space<vmem>>
        %get3A_372 = tpu.memref_squeeze %get3A_371 : memref<1x64x512xf32, #tpu.memory_space<vmem>> -> memref<64x512xf32, #tpu.memory_space<vmem>>
        %get3A_373 = arith.index_cast %add3A_368 : i32 to index
        %get3A_374 = arith.index_cast %mul3A_366 : i32 to index
        %get3A_375 = tpu.vector_load %get3A_372[%get3A_373, %get3A_374] {strides = array<i32>} : memref<64x512xf32, #tpu.memory_space<vmem>>, vector<1x16xf32>,
        %get3A_376 = vector.shape_cast %get3A_375 : vector<1x16xf32> to vector<16xf32>
        %add3A_377 = arith.constant 1 : i32
        %add3A_378 = arith.addi %mul3A_166, %add3A_377 : i32
        %get3A_379 = arith.constant 0 : i32
        %get3A_380 = arith.constant 0 : i32
        %get3A_381 = tpu.memref_slice %arg4[%scan3A_138, %get3A_379, %get3A_380] : memref<2x64x512xf32, #tpu.memory_space<vmem>> -> memref<1x64x512xf32, #tpu.memory_space<vmem>>
        %get3A_382 = tpu.memref_squeeze %get3A_381 : memref<1x64x512xf32, #tpu.memory_space<vmem>> -> memref<64x512xf32, #tpu.memory_space<vmem>>
        %get3A_383 = arith.index_cast %add3A_378 : i32 to index
        %get3A_384 = arith.index_cast %mul3A_366 : i32 to index
        %get3A_385 = tpu.vector_load %get3A_382[%get3A_383, %get3A_384] {strides = array<i32>} : memref<64x512xf32, #tpu.memory_space<vmem>>, vector<1x16xf32>,
        %get3A_386 = vector.shape_cast %get3A_385 : vector<1x16xf32> to vector<16xf32>
        %add3A_387 = arith.constant 2 : i32
        %add3A_388 = arith.addi %mul3A_166, %add3A_387 : i32
        %get3A_389 = arith.constant 0 : i32
        %get3A_390 = arith.constant 0 : i32
        %get3A_391 = tpu.memref_slice %arg4[%scan3A_138, %get3A_389, %get3A_390] : memref<2x64x512xf32, #tpu.memory_space<vmem>> -> memref<1x64x512xf32, #tpu.memory_space<vmem>>
        %get3A_392 = tpu.memref_squeeze %get3A_391 : memref<1x64x512xf32, #tpu.memory_space<vmem>> -> memref<64x512xf32, #tpu.memory_space<vmem>>
        %get3A_393 = arith.index_cast %add3A_388 : i32 to index
        %get3A_394 = arith.index_cast %mul3A_366 : i32 to index
        %get3A_395 = tpu.vector_load %get3A_392[%get3A_393, %get3A_394] {strides = array<i32>} : memref<64x512xf32, #tpu.memory_space<vmem>>, vector<1x16xf32>,
        %get3A_396 = vector.shape_cast %get3A_395 : vector<1x16xf32> to vector<16xf32>
        %add3A_397 = arith.constant 3 : i32
        %add3A_398 = arith.addi %mul3A_166, %add3A_397 : i32
        %get3A_399 = arith.constant 0 : i32
        %get3A_400 = arith.constant 0 : i32
        %get3A_401 = tpu.memref_slice %arg4[%scan3A_138, %get3A_399, %get3A_400] : memref<2x64x512xf32, #tpu.memory_space<vmem>> -> memref<1x64x512xf32, #tpu.memory_space<vmem>>
        %get3A_402 = tpu.memref_squeeze %get3A_401 : memref<1x64x512xf32, #tpu.memory_space<vmem>> -> memref<64x512xf32, #tpu.memory_space<vmem>>
        %get3A_403 = arith.index_cast %add3A_398 : i32 to index
        %get3A_404 = arith.index_cast %mul3A_366 : i32 to index
        %get3A_405 = tpu.vector_load %get3A_402[%get3A_403, %get3A_404] {strides = array<i32>} : memref<64x512xf32, #tpu.memory_space<vmem>>, vector<1x16xf32>,
        %get3A_406 = vector.shape_cast %get3A_405 : vector<1x16xf32> to vector<16xf32>
        %add3A_407 = arith.constant 4 : i32
        %add3A_408 = arith.addi %mul3A_166, %add3A_407 : i32
        %get3A_409 = arith.constant 0 : i32
        %get3A_410 = arith.constant 0 : i32
        %get3A_411 = tpu.memref_slice %arg4[%scan3A_138, %get3A_409, %get3A_410] : memref<2x64x512xf32, #tpu.memory_space<vmem>> -> memref<1x64x512xf32, #tpu.memory_space<vmem>>
        %get3A_412 = tpu.memref_squeeze %get3A_411 : memref<1x64x512xf32, #tpu.memory_space<vmem>> -> memref<64x512xf32, #tpu.memory_space<vmem>>
        %get3A_413 = arith.index_cast %add3A_408 : i32 to index
        %get3A_414 = arith.index_cast %mul3A_366 : i32 to index
        %get3A_415 = tpu.vector_load %get3A_412[%get3A_413, %get3A_414] {strides = array<i32>} : memref<64x512xf32, #tpu.memory_space<vmem>>, vector<1x16xf32>,
        %get3A_416 = vector.shape_cast %get3A_415 : vector<1x16xf32> to vector<16xf32>
        %add3A_417 = arith.constant 5 : i32
        %add3A_418 = arith.addi %mul3A_166, %add3A_417 : i32
        %get3A_419 = arith.constant 0 : i32
        %get3A_420 = arith.constant 0 : i32
        %get3A_421 = tpu.memref_slice %arg4[%scan3A_138, %get3A_419, %get3A_420] : memref<2x64x512xf32, #tpu.memory_space<vmem>> -> memref<1x64x512xf32, #tpu.memory_space<vmem>>
        %get3A_422 = tpu.memref_squeeze %get3A_421 : memref<1x64x512xf32, #tpu.memory_space<vmem>> -> memref<64x512xf32, #tpu.memory_space<vmem>>
        %get3A_423 = arith.index_cast %add3A_418 : i32 to index
        %get3A_424 = arith.index_cast %mul3A_366 : i32 to index
        %get3A_425 = tpu.vector_load %get3A_422[%get3A_423, %get3A_424] {strides = array<i32>} : memref<64x512xf32, #tpu.memory_space<vmem>>, vector<1x16xf32>,
        %get3A_426 = vector.shape_cast %get3A_425 : vector<1x16xf32> to vector<16xf32>
        %add3A_427 = arith.constant 6 : i32
        %add3A_428 = arith.addi %mul3A_166, %add3A_427 : i32
        %get3A_429 = arith.constant 0 : i32
        %get3A_430 = arith.constant 0 : i32
        %get3A_431 = tpu.memref_slice %arg4[%scan3A_138, %get3A_429, %get3A_430] : memref<2x64x512xf32, #tpu.memory_space<vmem>> -> memref<1x64x512xf32, #tpu.memory_space<vmem>>
        %get3A_432 = tpu.memref_squeeze %get3A_431 : memref<1x64x512xf32, #tpu.memory_space<vmem>> -> memref<64x512xf32, #tpu.memory_space<vmem>>
        %get3A_433 = arith.index_cast %add3A_428 : i32 to index
        %get3A_434 = arith.index_cast %mul3A_366 : i32 to index
        %get3A_435 = tpu.vector_load %get3A_432[%get3A_433, %get3A_434] {strides = array<i32>} : memref<64x512xf32, #tpu.memory_space<vmem>>, vector<1x16xf32>,
        %get3A_436 = vector.shape_cast %get3A_435 : vector<1x16xf32> to vector<16xf32>
        %add3A_437 = arith.constant 7 : i32
        %add3A_438 = arith.addi %mul3A_166, %add3A_437 : i32
        %get3A_439 = arith.constant 0 : i32
        %get3A_440 = arith.constant 0 : i32
        %get3A_441 = tpu.memref_slice %arg4[%scan3A_138, %get3A_439, %get3A_440] : memref<2x64x512xf32, #tpu.memory_space<vmem>> -> memref<1x64x512xf32, #tpu.memory_space<vmem>>
        %get3A_442 = tpu.memref_squeeze %get3A_441 : memref<1x64x512xf32, #tpu.memory_space<vmem>> -> memref<64x512xf32, #tpu.memory_space<vmem>>
        %get3A_443 = arith.index_cast %add3A_438 : i32 to index
        %get3A_444 = arith.index_cast %mul3A_366 : i32 to index
        %get3A_445 = tpu.vector_load %get3A_442[%get3A_443, %get3A_444] {strides = array<i32>} : memref<64x512xf32, #tpu.memory_space<vmem>>, vector<1x16xf32>,
        %get3A_446 = vector.shape_cast %get3A_445 : vector<1x16xf32> to vector<16xf32>
        %add3A_447 = arith.constant 8 : i32
        %add3A_448 = arith.addi %mul3A_166, %add3A_447 : i32
        %get3A_449 = arith.constant 0 : i32
        %get3A_450 = arith.constant 0 : i32
        %get3A_451 = tpu.memref_slice %arg4[%scan3A_138, %get3A_449, %get3A_450] : memref<2x64x512xf32, #tpu.memory_space<vmem>> -> memref<1x64x512xf32, #tpu.memory_space<vmem>>
        %get3A_452 = tpu.memref_squeeze %get3A_451 : memref<1x64x512xf32, #tpu.memory_space<vmem>> -> memref<64x512xf32, #tpu.memory_space<vmem>>
        %get3A_453 = arith.index_cast %add3A_448 : i32 to index
        %get3A_454 = arith.index_cast %mul3A_366 : i32 to index
        %get3A_455 = tpu.vector_load %get3A_452[%get3A_453, %get3A_454] {strides = array<i32>} : memref<64x512xf32, #tpu.memory_space<vmem>>, vector<1x16xf32>,
        %get3A_456 = vector.shape_cast %get3A_455 : vector<1x16xf32> to vector<16xf32>
        %add3A_457 = arith.constant 9 : i32
        %add3A_458 = arith.addi %mul3A_166, %add3A_457 : i32
        %get3A_459 = arith.constant 0 : i32
        %get3A_460 = arith.constant 0 : i32
        %get3A_461 = tpu.memref_slice %arg4[%scan3A_138, %get3A_459, %get3A_460] : memref<2x64x512xf32, #tpu.memory_space<vmem>> -> memref<1x64x512xf32, #tpu.memory_space<vmem>>
        %get3A_462 = tpu.memref_squeeze %get3A_461 : memref<1x64x512xf32, #tpu.memory_space<vmem>> -> memref<64x512xf32, #tpu.memory_space<vmem>>
        %get3A_463 = arith.index_cast %add3A_458 : i32 to index
        %get3A_464 = arith.index_cast %mul3A_366 : i32 to index
        %get3A_465 = tpu.vector_load %get3A_462[%get3A_463, %get3A_464] {strides = array<i32>} : memref<64x512xf32, #tpu.memory_space<vmem>>, vector<1x16xf32>,
        %get3A_466 = vector.shape_cast %get3A_465 : vector<1x16xf32> to vector<16xf32>
        %add3A_467 = arith.constant 10 : i32
        %add3A_468 = arith.addi %mul3A_166, %add3A_467 : i32
        %get3A_469 = arith.constant 0 : i32
        %get3A_470 = arith.constant 0 : i32
        %get3A_471 = tpu.memref_slice %arg4[%scan3A_138, %get3A_469, %get3A_470] : memref<2x64x512xf32, #tpu.memory_space<vmem>> -> memref<1x64x512xf32, #tpu.memory_space<vmem>>
        %get3A_472 = tpu.memref_squeeze %get3A_471 : memref<1x64x512xf32, #tpu.memory_space<vmem>> -> memref<64x512xf32, #tpu.memory_space<vmem>>
        %get3A_473 = arith.index_cast %add3A_468 : i32 to index
        %get3A_474 = arith.index_cast %mul3A_366 : i32 to index
        %get3A_475 = tpu.vector_load %get3A_472[%get3A_473, %get3A_474] {strides = array<i32>} : memref<64x512xf32, #tpu.memory_space<vmem>>, vector<1x16xf32>,
        %get3A_476 = vector.shape_cast %get3A_475 : vector<1x16xf32> to vector<16xf32>
        %add3A_477 = arith.constant 11 : i32
        %add3A_478 = arith.addi %mul3A_166, %add3A_477 : i32
        %get3A_479 = arith.constant 0 : i32
        %get3A_480 = arith.constant 0 : i32
        %get3A_481 = tpu.memref_slice %arg4[%scan3A_138, %get3A_479, %get3A_480] : memref<2x64x512xf32, #tpu.memory_space<vmem>> -> memref<1x64x512xf32, #tpu.memory_space<vmem>>
        %get3A_482 = tpu.memref_squeeze %get3A_481 : memref<1x64x512xf32, #tpu.memory_space<vmem>> -> memref<64x512xf32, #tpu.memory_space<vmem>>
        %get3A_483 = arith.index_cast %add3A_478 : i32 to index
        %get3A_484 = arith.index_cast %mul3A_366 : i32 to index
        %get3A_485 = tpu.vector_load %get3A_482[%get3A_483, %get3A_484] {strides = array<i32>} : memref<64x512xf32, #tpu.memory_space<vmem>>, vector<1x16xf32>,
        %get3A_486 = vector.shape_cast %get3A_485 : vector<1x16xf32> to vector<16xf32>
        %add3A_487 = arith.constant 12 : i32
        %add3A_488 = arith.addi %mul3A_166, %add3A_487 : i32
        %get3A_489 = arith.constant 0 : i32
        %get3A_490 = arith.constant 0 : i32
        %get3A_491 = tpu.memref_slice %arg4[%scan3A_138, %get3A_489, %get3A_490] : memref<2x64x512xf32, #tpu.memory_space<vmem>> -> memref<1x64x512xf32, #tpu.memory_space<vmem>>
        %get3A_492 = tpu.memref_squeeze %get3A_491 : memref<1x64x512xf32, #tpu.memory_space<vmem>> -> memref<64x512xf32, #tpu.memory_space<vmem>>
        %get3A_493 = arith.index_cast %add3A_488 : i32 to index
        %get3A_494 = arith.index_cast %mul3A_366 : i32 to index
        %get3A_495 = tpu.vector_load %get3A_492[%get3A_493, %get3A_494] {strides = array<i32>} : memref<64x512xf32, #tpu.memory_space<vmem>>, vector<1x16xf32>,
        %get3A_496 = vector.shape_cast %get3A_495 : vector<1x16xf32> to vector<16xf32>
        %add3A_497 = arith.constant 13 : i32
        %add3A_498 = arith.addi %mul3A_166, %add3A_497 : i32
        %get3A_499 = arith.constant 0 : i32
        %get3A_500 = arith.constant 0 : i32
        %get3A_501 = tpu.memref_slice %arg4[%scan3A_138, %get3A_499, %get3A_500] : memref<2x64x512xf32, #tpu.memory_space<vmem>> -> memref<1x64x512xf32, #tpu.memory_space<vmem>>
        %get3A_502 = tpu.memref_squeeze %get3A_501 : memref<1x64x512xf32, #tpu.memory_space<vmem>> -> memref<64x512xf32, #tpu.memory_space<vmem>>
        %get3A_503 = arith.index_cast %add3A_498 : i32 to index
        %get3A_504 = arith.index_cast %mul3A_366 : i32 to index
        %get3A_505 = tpu.vector_load %get3A_502[%get3A_503, %get3A_504] {strides = array<i32>} : memref<64x512xf32, #tpu.memory_space<vmem>>, vector<1x16xf32>,
        %get3A_506 = vector.shape_cast %get3A_505 : vector<1x16xf32> to vector<16xf32>
        %add3A_507 = arith.constant 14 : i32
        %add3A_508 = arith.addi %mul3A_166, %add3A_507 : i32
        %get3A_509 = arith.constant 0 : i32
        %get3A_510 = arith.constant 0 : i32
        %get3A_511 = tpu.memref_slice %arg4[%scan3A_138, %get3A_509, %get3A_510] : memref<2x64x512xf32, #tpu.memory_space<vmem>> -> memref<1x64x512xf32, #tpu.memory_space<vmem>>
        %get3A_512 = tpu.memref_squeeze %get3A_511 : memref<1x64x512xf32, #tpu.memory_space<vmem>> -> memref<64x512xf32, #tpu.memory_space<vmem>>
        %get3A_513 = arith.index_cast %add3A_508 : i32 to index
        %get3A_514 = arith.index_cast %mul3A_366 : i32 to index
        %get3A_515 = tpu.vector_load %get3A_512[%get3A_513, %get3A_514] {strides = array<i32>} : memref<64x512xf32, #tpu.memory_space<vmem>>, vector<1x16xf32>,
        %get3A_516 = vector.shape_cast %get3A_515 : vector<1x16xf32> to vector<16xf32>
        %add3A_517 = arith.constant 15 : i32
        %add3A_518 = arith.addi %mul3A_166, %add3A_517 : i32
        %get3A_519 = arith.constant 0 : i32
        %get3A_520 = arith.constant 0 : i32
        %get3A_521 = tpu.memref_slice %arg4[%scan3A_138, %get3A_519, %get3A_520] : memref<2x64x512xf32, #tpu.memory_space<vmem>> -> memref<1x64x512xf32, #tpu.memory_space<vmem>>
        %get3A_522 = tpu.memref_squeeze %get3A_521 : memref<1x64x512xf32, #tpu.memory_space<vmem>> -> memref<64x512xf32, #tpu.memory_space<vmem>>
        %get3A_523 = arith.index_cast %add3A_518 : i32 to index
        %get3A_524 = arith.index_cast %mul3A_366 : i32 to index
        %get3A_525 = tpu.vector_load %get3A_522[%get3A_523, %get3A_524] {strides = array<i32>} : memref<64x512xf32, #tpu.memory_space<vmem>>, vector<1x16xf32>,
        %get3A_526 = vector.shape_cast %get3A_525 : vector<1x16xf32> to vector<16xf32>
        %mul3A_527 = vector.broadcast %select_n3A_161 : f32 to vector<16xf32>
        %mul3A_528 = arith.mulf %get3A_526, %mul3A_527 : vector<16xf32>
        %add3A_529 = arith.addf %get3A_376, %get3A_386 : vector<16xf32>
        %add3A_530 = arith.addf %get3A_396, %get3A_406 : vector<16xf32>
        %add3A_531 = arith.addf %get3A_416, %get3A_426 : vector<16xf32>
        %add3A_532 = arith.addf %get3A_436, %get3A_446 : vector<16xf32>
        %add3A_533 = arith.addf %get3A_456, %get3A_466 : vector<16xf32>
        %add3A_534 = arith.addf %get3A_476, %get3A_486 : vector<16xf32>
        %add3A_535 = arith.addf %get3A_496, %get3A_506 : vector<16xf32>
        %add3A_536 = arith.addf %get3A_516, %mul3A_528 : vector<16xf32>
        %add3A_537 = arith.addf %add3A_529, %add3A_530 : vector<16xf32>
        %add3A_538 = arith.addf %add3A_531, %add3A_532 : vector<16xf32>
        %add3A_539 = arith.addf %add3A_533, %add3A_534 : vector<16xf32>
        %add3A_540 = arith.addf %add3A_535, %add3A_536 : vector<16xf32>
        %add3A_541 = arith.addf %add3A_537, %add3A_538 : vector<16xf32>
        %add3A_542 = arith.addf %add3A_539, %add3A_540 : vector<16xf32>
        %add3A_543 = arith.addf %add3A_541, %add3A_542 : vector<16xf32>
        %mul3A_544 = vector.broadcast %select_n3A_164 : f32 to vector<16xf32>
        %mul3A_545 = arith.mulf %add3A_543, %mul3A_544 : vector<16xf32>
        %swap3A_546 = arith.index_cast %add3A_146 : i32 to index
        %swap3A_547 = arith.index_cast %mul3A_366 : i32 to index
        %swap3A_548 = tpu.vector_load %arg5[%swap3A_546, %swap3A_547] {strides = array<i32>} : memref<16x512xf32, #tpu.memory_space<vmem>>, vector<1x16xf32>,
        %swap3A_549 = vector.shape_cast %swap3A_548 : vector<1x16xf32> to vector<16xf32>
        %swap3A_550 = vector.shape_cast %mul3A_545 : vector<16xf32> to vector<1x16xf32>
        tpu.vector_store %arg5[%swap3A_546, %swap3A_547], %swap3A_550 {strides = array<i32>} : memref<16x512xf32, #tpu.memory_space<vmem>>, vector<1x16xf32>,
      }
      %scan3A_171 = arith.constant 16 : i32
    }
    %scan3A_143 = arith.constant 4 : i32
    "tpu.region"() ({
      %run_scoped3A = tpu.sem_alloc : memref<!tpu.dma_semaphore, #tpu.memory_space<semaphore_mem>>
      %dma_start3A_144 = arith.constant 0 : i32
      %dma_start3A_145 = tpu.memref_slice %arg3[%mul3A_2, %dma_start3A_144] : memref<512x512xf32, #tpu.memory_space<hbm>> -> memref<16x512xf32, #tpu.memory_space<hbm>>
      %dma_start3A_146 = arith.constant 0 : i32
      %dma_start3A_147 = tpu.memref_slice %arg3[%mul3A_2, %dma_start3A_146] : memref<512x512xf32, #tpu.memory_space<hbm>> -> memref<16x512xf32, #tpu.memory_space<hbm>>
      tpu.enqueue_dma source(%arg5 : memref<16x512xf32, #tpu.memory_space<vmem>>) target(%dma_start3A_147 : memref<16x512xf32, #tpu.memory_space<hbm>>) target_semaphore(%run_scoped3A : memref<!tpu.dma_semaphore, #tpu.memory_space<semaphore_mem>>)
      %dma_wait3A_148 = arith.constant 0 : i32
      %dma_wait3A_149 = tpu.memref_slice %arg3[%mul3A_2, %dma_wait3A_148] : memref<512x512xf32, #tpu.memory_space<hbm>> -> memref<16x512xf32, #tpu.memory_space<hbm>>
      %dma_wait3A_150 = arith.constant 0 : i32
      %dma_wait3A_151 = tpu.memref_slice %arg3[%mul3A_2, %dma_wait3A_150] : memref<512x512xf32, #tpu.memory_space<hbm>> -> memref<16x512xf32, #tpu.memory_space<hbm>>
      tpu.wait_dma2 semaphore(%run_scoped3A : memref<!tpu.dma_semaphore, #tpu.memory_space<semaphore_mem>>) src(%arg5 : memref<16x512xf32, #tpu.memory_space<vmem>>) dst(%dma_wait3A_151 : memref<16x512xf32, #tpu.memory_space<hbm>>)
      tpu.yield
    }) : () -> ()
    return
  }
}

module attributes {stable_mosaic.version = 14 : i64} {
  func.func @_tc_body(%arg0: i32, %arg1: memref<256x16x512xf32, #tpu.memory_space<vmem>>, %arg2: memref<256x512xf32, #tpu.memory_space<vmem>>) attributes {dimension_semantics = [#tpu.dimension_semantics<arbitrary>], iteration_bounds = array<i64: 6>, scalar_prefetch = 0 : i64, scratch_operands = 0 : i64, tpu.core_type = #tpu.core_type<tc>, window_params = [{transform_indices = @transform_0, window_bounds = array<i64: 256, 16, 512>}, {transform_indices = @transform_1, window_bounds = array<i64: 256, 512>}]} {
    %get3A = arith.constant 0 : index
    %get3A_0 = arith.constant 0 : index
    %get3A_1 = arith.constant 0 : index
    %get3A_2 = vector.load %arg1[%get3A, %get3A_0, %get3A_1] : memref<256x16x512xf32, #tpu.memory_space<vmem>>, vector<256x16x512xf32>
    %reduce_sum3A = arith.constant dense<0.000000e+00> : vector<256x512xf32>
    %reduce_sum3A_3 = vector.multi_reduction <add>, %get3A_2, %reduce_sum3A [1] : vector<256x16x512xf32> to vector<256x512xf32>
    %slice3A = vector.extract_strided_slice %get3A_2 {offsets = [0, 15, 0], sizes = [256, 1, 512], strides = [1, 1, 1]} : vector<256x16x512xf32> to vector<256x1x512xf32>
    %squeeze3A = vector.shape_cast %slice3A : vector<256x1x512xf32> to vector<256x512xf32>
    %iota3A = tpu.iota {dimensions = array<i32: 0>} : vector<256x512xi32>
    %jit3A = arith.constant 128 : i32
    %eq3A = arith.constant 0 : i32
    %eq3A_4 = arith.cmpi eq, %jit3A, %eq3A : i32
    %jit3A_5 = arith.constant 1 : i32
    %select_n3A = arith.select %eq3A_4, %jit3A_5, %jit3A : i32
    %rem3A = vector.broadcast %select_n3A : i32 to vector<256x512xi32>
    %rem3A_6 = arith.remsi %iota3A, %rem3A : vector<256x512xi32>
    %ne3A = arith.constant 0 : i32
    %ne3A_7 = vector.broadcast %ne3A : i32 to vector<256x512xi32>
    %ne3A_8 = arith.cmpi ne, %rem3A_6, %ne3A_7 : vector<256x512xi32>
    %lt3A = arith.constant 0 : i32
    %lt3A_9 = vector.broadcast %lt3A : i32 to vector<256x512xi32>
    %lt3A_10 = arith.cmpi slt, %rem3A_6, %lt3A_9 : vector<256x512xi32>
    %lt3A_11 = arith.constant 0 : i32
    %lt3A_12 = arith.cmpi slt, %select_n3A, %lt3A_11 : i32
    %ne3A_13 = vector.broadcast %lt3A_12 : i1 to vector<256x512xi1>
    %ne3A_14 = vector.broadcast %ne3A_13 : vector<256x512xi1> to vector<256x512xi1>
    %ne3A_15 = arith.xori %lt3A_10, %ne3A_14 : vector<256x512xi1>
    %and3A = arith.andi %ne3A_15, %ne3A_8 : vector<256x512xi1>
    %add3A = vector.broadcast %select_n3A : i32 to vector<256x512xi32>
    %add3A_16 = arith.addi %rem3A_6, %add3A : vector<256x512xi32>
    %select_n3A_17 = arith.select %and3A, %add3A_16, %rem3A_6 : vector<256x512xi1>, vector<256x512xi32>
    %eq3A_18 = arith.constant 127 : i32
    %eq3A_19 = vector.broadcast %eq3A_18 : i32 to vector<256x512xi32>
    %eq3A_20 = arith.cmpi eq, %select_n3A_17, %eq3A_19 : vector<256x512xi32>
    %jit3A_21 = arith.constant 0.000000e+00 : f32
    %broadcast_in_dim3A = vector.broadcast %jit3A_21 : f32 to vector<256x512xf32>
    %select_n3A_22 = arith.select %eq3A_20, %squeeze3A, %broadcast_in_dim3A : vector<256x512xi1>, vector<256x512xf32>
    %sub3A = arith.subf %reduce_sum3A_3, %select_n3A_22 : vector<256x512xf32>
    %jit3A_23 = arith.constant 0.0666666701 : f32
    %jit3A_24 = arith.constant 6.250000e-02 : f32
    %broadcast_in_dim3A_25 = vector.broadcast %jit3A_23 : f32 to vector<256x512xf32>
    %broadcast_in_dim3A_26 = vector.broadcast %jit3A_24 : f32 to vector<256x512xf32>
    %select_n3A_27 = arith.select %eq3A_20, %broadcast_in_dim3A_25, %broadcast_in_dim3A_26 : vector<256x512xi1>, vector<256x512xf32>
    %mul3A = arith.mulf %sub3A, %select_n3A_27 : vector<256x512xf32>
    %swap3A = arith.constant 0 : index
    %swap3A_28 = arith.constant 0 : index
    %swap3A_29 = vector.load %arg2[%swap3A, %swap3A_28] : memref<256x512xf32, #tpu.memory_space<vmem>>, vector<256x512xf32>
    tpu.vector_store %arg2[%swap3A, %swap3A_28], %mul3A {strides = array<i32>} : memref<256x512xf32, #tpu.memory_space<vmem>>, vector<256x512xf32>,
    return
  }
  func.func @transform_0(%arg0: i32) -> (i32, i32, i32) {
    %c0_i32 = arith.constant 0 : i32
    %c0_i32_0 = arith.constant 0 : i32
    %c0_i32_1 = arith.constant 0 : i32
    return %arg0, %c0_i32, %c0_i32_0 : i32, i32, i32
  }
  func.func @transform_1(%arg0: i32) -> (i32, i32) {
    %c0_i32 = arith.constant 0 : i32
    %c0_i32_0 = arith.constant 0 : i32
    return %arg0, %c0_i32 : i32, i32
  }
}

</mosaic_0001>

<sc_bundles>
// kernel: kernel.4.cloned.1.call-start
scs
__scs_entry_jumppad:
0x0: {  	(pc) =	sbr.rel $0x88, $3  }
0x1: {  	(tag) =	ssettag $0x0;
	lr =	simm.s32 $0x1  }
0x2: {  	[smem:$0x3FA0] =	sst lr;
	_ =	strace $0xD0000000  }
0x3: {  	_ = 	snop  }
0x4: {  	_ = 	snop  }
0x5: {  	_ = 	snop  }
0x6: {  	_ = 	snop  }
0x7: {  	_ = 	snop  }
__scs_overlays_trampoline_lowered:
0x8: {  	[smem:$0x3FAF] =	sst s0  }
0x9: {  	[smem:$0x3FB0] =	sst s1  }
0xa: {  	[smem:$0x3FB1] =	sst s2  }
0xb: {  	[smem:$0x3FB2] =	sst s3  }
0xc: {  	[smem:$0x3FB3] =	sst s4  }
0xd: {  	[smem:$0x3FB4] =	sst s5  }
0xe: {  	[smem:$0x3FB5] =	sst s6  }
0xf: {  	[smem:$0x3FB6] =	sst s7  }
0x10: {  	[smem:$0x3FB7] =	sst s8  }
0x11: {  	[smem:$0x3FB8] =	sst s9;
	s0 =	simm.s32 @!p0 $0x0  }
0x12: {  	s1 =	sld [smem:$0x3F9E];
	s0 =	simm.s32 @p0 $0x1  }
0x13: {  	[smem:$0x3FB9] =	sst s0;
	s0 =	simm.s32 @!p1 $0x0  }
0x14: {  	s2 =	sld [smem:$0x3F9D];
	s0 =	simm.s32 @p1 $0x1  }
0x15: {  	[smem:$0x3FBA] =	sst s0;
	s0 =	simm.s32 @!p2 $0x0  }
0x16: {  	s3 =	sld [smem:$0x3FDB];
	s0 =	simm.s32 @p2 $0x1  }
0x17: {  	s4 =	simm.s32 $0x1BF5;
	[smem:$0x3FBC] =	sst s0  }
0x18: {  	s0 =	sld [smem:$0x3F9F];
	_ =	swait.ge [sflag:s4], $0x0  }
0x19: {  	s7 =	sld [smem:$0x3FA0]  }
0x1a: {  	s8 =	sadd.s32 $0xFFFFE003, lr  }
0x1b: {  	s9 =	sadd.s32 $0xFFFFFEF7, lr;
	s5 =	simm.s32 $0xFFFFFFFF;
	p2 =	slt.u32 s8, $0xFFFFF086  }
0x1c: {  	p1 =	slt.u32 s9, $0xF7A;
	s5 =	simm.s32 @!p2 $0x0  }
0x1d: {  	s5 =	simm.s32 @p1 $0x1;
	p0 =	seq.s32 s7, s2  }
0x1e: {  	s7 =	smul.u32 @!p0 $0xF7A, s2;
	p2 =	seq.s32 @!p0 s5, $0x0  }
0x1f: {  	s9 =	smul.u32 $0xF7A, s1;
	s8 =	simm.s32 @!p0 $0x1BF5;
	p2 =	por !p2, p0  }
0x20: {  	[sflag:s8] =	ssyncset.s32 @!p0 $0xFFFFF086;
	s6 =	sadd.s32 @!p0 s3, s7;
	s7 =	simm.s32 @!p0 $0x108  }
0x21: {  	s3 =	sadd.s32 s3, s9;
	s6 =	sadd.s32 @!p0 $0x88, s6;
	s7 =	simm.s32 @p2 $0x1082  }
0x22: {  	[simem:s7], [sflag:s8] =	dma.local @!p0 [hbm:s6], $0xF7A  }
0x23: {  	s9 =	sor.u32 $0xD0000000, s2;
	s6 =	simm.s32 $0x108;
	_ =	swait.ge @!p0 [sflag:s8], $0x0  }
0x24: {  	s3 =	sadd.s32 $0x88, s3;
	s6 =	simm.s32 @!p1 $0x1082;
	[sflag:s4] =	ssyncset.s32 $0xFFFFF086  }
0x25: {  	[simem:s6], [sflag:s4] =	dma.local [hbm:s3], $0xF7A  }
0x26: {  	[smem:$0x3FA0] =	sst s1;
	(tag) =	ssettag s2;
	_ =	strace s9  }
0x27: {  	s1 =	sld [smem:$0x3FB0]  }
0x28: {  	s2 =	sld [smem:$0x3FB1]  }
0x29: {  	s4 =	sld [smem:$0x3FB3]  }
0x2a: {  	p0 =	seq.s32 s5, $0x0;
	s5 =	sld [smem:$0x3FB4]  }
0x2b: {  	s6 =	sld [smem:$0x3FB5]  }
0x2c: {  	s7 =	sld [smem:$0x3FB6]  }
0x2d: {  	s3 =	simm.s32 $0x108;
	s8 =	sld [smem:$0x3FB7]  }
0x2e: {  	s3 =	simm.s32 @!p0 $0x1082;
	s9 =	sld [smem:$0x3FB8]  }
0x2f: {  	lr =	sadd.s32 s0, s3;
	s0 =	sld [smem:$0x3FAF]  }
0x30: {  	s3 =	sld [smem:$0x3FB2]  }
0x31: {  	[smem:$0x3FBB] =	sst s10  }
0x32: {  	s10 =	sld [smem:$0x3FB9];
	_ =	sdelay $0x3  }
0x33: {  	p0 =	seq.s32 s10, $0x1;
	s10 =	sld [smem:$0x3FBB];
	_ =	sdelay $0x3  }
0x34: {  	[smem:$0x3FBB] =	sst s10  }
0x35: {  	s10 =	sld [smem:$0x3FBA];
	_ =	sdelay $0x3  }
0x36: {  	p1 =	seq.s32 s10, $0x1;
	s10 =	sld [smem:$0x3FBB];
	_ =	sdelay $0x3  }
0x37: {  	[smem:$0x3FBB] =	sst s10  }
0x38: {  	s10 =	sld [smem:$0x3FBC]  }
0x39: {  	_ = 	snop;
	(pc) =	sbr.ind lr, $3  }
0x3a: {  	_ = 	snop  }
0x3b: {  	_ = 	snop  }
0x3c: {  	p2 =	seq.s32 s10, $0x1;
	s10 =	sld [smem:$0x3FBB]  }
0x3d: {  	_ =	shalt  }
0x3e: {  	_ =	shalt  }
0x3f: {  	_ =	shalt  }
0x40: {  	_ =	shalt  }
0x41: {  	_ =	shalt  }
0x42: {  	_ =	shalt  }
0x43: {  	_ =	shalt  }
0x44: {  	_ =	shalt  }
0x45: {  	_ =	shalt  }
0x46: {  	_ =	shalt  }
0x47: {  	_ =	shalt  }
0x48: {  	_ =	shalt  }
0x49: {  	_ =	shalt  }
0x4a: {  	_ =	shalt  }
0x4b: {  	_ =	shalt  }
0x4c: {  	_ =	shalt  }
0x4d: {  	_ =	shalt  }
0x4e: {  	_ =	shalt  }
0x4f: {  	_ =	shalt  }
0x50: {  	_ =	shalt  }
0x51: {  	_ =	shalt  }
0x52: {  	_ =	shalt  }
0x53: {  	_ =	shalt  }
0x54: {  	_ =	shalt  }
0x55: {  	_ =	shalt  }
0x56: {  	_ =	shalt  }
0x57: {  	_ =	shalt  }
0x58: {  	_ =	shalt  }
0x59: {  	_ =	shalt  }
0x5a: {  	_ =	shalt  }
0x5b: {  	_ =	shalt  }
0x5c: {  	_ =	shalt  }
0x5d: {  	_ =	shalt  }
0x5e: {  	_ =	shalt  }
0x5f: {  	_ =	shalt  }
0x60: {  	_ =	shalt  }
0x61: {  	_ =	shalt  }
0x62: {  	_ =	shalt  }
0x63: {  	_ =	shalt  }
0x64: {  	_ =	shalt  }
0x65: {  	_ =	shalt  }
0x66: {  	_ =	shalt  }
0x67: {  	_ =	shalt  }
0x68: {  	_ =	shalt  }
0x69: {  	_ =	shalt  }
0x6a: {  	_ =	shalt  }
0x6b: {  	_ =	shalt  }
0x6c: {  	_ =	shalt  }
0x6d: {  	_ =	shalt  }
0x6e: {  	_ =	shalt  }
0x6f: {  	_ =	shalt  }
0x70: {  	_ =	shalt  }
0x71: {  	_ =	shalt  }
0x72: {  	_ =	shalt  }
0x73: {  	_ =	shalt  }
0x74: {  	_ =	shalt  }
0x75: {  	_ =	shalt  }
0x76: {  	_ =	shalt  }
0x77: {  	_ =	shalt  }
0x78: {  	_ =	shalt  }
0x79: {  	_ =	shalt  }
0x7a: {  	_ =	shalt  }
0x7b: {  	_ =	shalt  }
0x7c: {  	_ =	shalt  }
0x7d: {  	_ =	shalt  }
0x7e: {  	_ =	shalt  }
0x7f: {  	_ =	shalt  }
0x80: {  	_ =	shalt  }
0x81: {  	_ =	shalt  }
0x82: {  	_ =	shalt  }
0x83: {  	_ =	shalt  }
0x84: {  	_ =	shalt  }
0x85: {  	_ =	shalt  }
0x86: {  	_ =	shalt  }
0x87: {  	_ =	shalt  }
.Lfunc_end0:
.L_simem_size_0:
called_computation_lowered:
.L_overlay_start_0:
0x88: {  	s2 =	sld [smem:$0x3FD9]  }
0x89: {  	s3 =	sld [smem:$0x3FFE];
	_ =	sdelay $0x1  }
0x8a: {  	s1 =	srdreg.scid  }
0x8b: {  	s0 =	sand.u32 $0x1, s1  }
0x8c: {  	s17 =	sshll.u32 s0, $0xA;
	s2 =	sadd.s32 s3, s2  }
0x8d: {  	s2 =	sadd.s32 s2, s17  }
0x8e: {  	[smem:$0x3FC7] =	sst s2  }
0x8f: {  	_ = 	snop  }
0x90: {  	s2 =	sld [smem:$0x3FC9];
	(tm) =	ssettm $0x1  }
0x91: {  	s18 =	sld [smem:$0x3FFB];
	_ =	sdelay $0x3  }
0x92: {  	_ =	strace s18  }
0x93: {  	s3 =	sld [smem:$0x3FFC];
	_ =	sdelay $0x3  }
0x94: {  	_ =	strace s3  }
0x95: {  	s3 =	sld [smem:$0x3FFD];
	_ =	sdelay $0x3  }
0x96: {  	_ =	strace s3  }
0x97: {  	_ =	strace $0x8FFFFFFF  }
0x98: {  	s19 =	sld [smem:$0x3FDB];
	_ =	sdelay $0x1  }
0x99: {  	s4 =	simm.s32 $_scs_section_size  }
0x9a: {  	s5 =	simm.s32 $_size__tile_overlayer_lowered;
	s6 =	simm.s32 $_tile_overlayer_lowered  }
0x9b: {  	s22 =	simm.s32 $0x1BFF;
	s21 =	sshll.u32 s6, $0x1;
	s3 =	sadd.s32 s4, s19  }
0x9c: {  	s7 =	simm.s32 $0x0;
	s20 =	sshll.u32 s5, $0x1;
	s5 =	sadd.s32 s21, s3  }
0x9d: {  	[timem:s7], [sflag:s22] =	dma.local [hbm:s5], s20  }
0x9e: {  	_ =	swait.ge [sflag:s22], s20  }
0x9f: {  	s4 =	ssub.s32 $0x0, s20;
	[sflag:s22] =	ssyncset.done $0x0  }
0xa0: {  	[sflag:s22] =	ssyncadd.s32 s4;
	_ =	sdelay $0x1  }
0xa1: {  	s23 =	simm.s32 $0x1B8B  }
0xa2: {  	_ =	swait.ge [sflag:s23], $0x1  }
0xa3: {  	[sflag:s23] =	ssyncset.done $0x0  }
0xa4: {  	s25 =	simm.s32 $0x1B8E;
	s24 =	sld [smem:$0x3FFE];
	[sflag:s23] =	ssyncadd.s32 $0xFFFFFFFF  }
0xa5: {  	s26 =	simm.s32 $execute0_lowered;
	[smem:$0x3FD2] =	sst s25  }
0xa6: {  	s5 =	sshll.u32 s26, $0x1;
	_ =	strace $0x80000046;
	[dreg:$0x1] =	wrdreg $0xFFFFFFFF  }
0xa7: {  	s28 =	simm.s32 $_size_execute0_lowered;
	s3 =	sadd.s32 s3, s5;
	[dreg:$0x0] =	wrdreg $0x0  }
0xa8: {  	s5 =	sshll.u32 s28, $0x1;
	[dreg:$0x2] =	wrdreg s3  }
0xa9: {  	[dreg:$0x3] =	wrdreg s5  }
0xaa: {  	[dreg:$0x4] =	wrdreg $0xC0  }
0xab: {  	_ =	task [dreg:s7], $0x5FFFF  }
0xac: {  	[dreg:$0x1] =	wrdreg $0xFFFFFFFF  }
0xad: {  	[dreg:$0x0] =	wrdreg $0x60  }
0xae: {  	[dreg:$0x2] =	wrdreg s2  }
0xaf: {  	[dreg:$0x3] =	wrdreg s24  }
0xb0: {  	[dreg:$0x4] =	wrdreg $0x9  }
0xb1: {  	_ =	task.clear_ibuf [dreg:s7], $0x5FFFF;
	_ =	strace $0x90000046  }
0xb2: {  	s29 =	simm.s32 $0x9;
	_ =	strace $0x80000048  }
0xb3: {  	_ =	swait.ge [sflag:s29], $0x1  }
0xb4: {  	[sflag:s29] =	ssyncadd.s32 $0xFFFFFFFF  }
0xb5: {  	_ =	strace $0x90000048  }
0xb6: {  	_ =	sfence  }
0xb7: {  	s30 =	sld [smem:$0x0];
	_ =	sdelay $0x2  }
0xb8: {  	s31 =	sshll.u32 s1, $0xD;
	s1 =	sshrl.u32 s1, $0x2  }
0xb9: {  	s3 =	sand.u32 $0x4000, s31;
	s1 =	sadd.s32 s1, s30  }
0xba: {  	s0 =	sor.u32 s3, s0;
	s1 =	sshll.u32 s1, $0x11  }
0xbb: {  	s0 =	sor.u32 s1, s0  }
0xbc: {  	s0 =	sadd.s32 $0x8F2B, s0  }
0xbd: {  	[sflag:s0] =	ssyncadd.remote.s32 $0x1  }
0xbe: {  	_ =	sfence.sel $0xFFFF  }
0xbf: {  	[dreg:$0x0] =	wrdreg $0xFFFFFFFF;
	(pc) =	sbr.abs _section_cstart, $3  }
0xc0: {  	[dreg:$0x1] =	wrdreg $0xFFFFFFFF  }
0xc1: {  	_ =	task.clear_ibuf [dreg:s7], $0x2FFFF;
	_ =	strace $0x9FFFFFFF  }
0xc2: {  	(tm) =	ssettm $0x7FFFFFFF  }
0xc3: {  	_ =	shalt  }
tec
execute0_lowered:
.L_overlay_start_1:
0x0: {  	(tag) =	ssettag $0x1  }
0x1: {  	s3 =	rddreg [dreg:$0x0]  }
0x2: {  	s4 =	rddreg [dreg:$0x1]  }
0x3: {  	s0 =	rddreg [dreg:$0x2];
	s2 =	simm.s32 $0x0;
	s5 =	srdreg.scid  }
0x4: {  	s1 =	stileid.u32;
	s11 =	simm.s32 $0x8000;
	s12 =	simm.s32 $0x2  }
0x5: {  	s13 =	simm.s32 $0x10000;
	s14 =	simm.s32 $0x3;
	s15 =	simm.s32 $0x0  }
0x6: {  	[smem:$0x7FF] =	sst s2;
	s5 =	sand.u32 $0x1, s5;
	s6 =	sshll.u32 s1, $0x1  }
0x7: {  	_ =	strace $0x80000047;
	s6 =	sor.u32 s5, s6;
	s5 =	ssub.s32 $0x2, s5  }
0x8: {  	s7 =	sshll.u32 s6, $0xA;
	s8 =	sshll.u32 s6, $0xE;
	s29 =	sshrl.u32 s5, $0x1  }
0x9: {  	s31 =	sshll.u32 s6, $0x4;
	s9 =	sadd.s32 s7, s4;
	s30 =	sadd.s32 s8, s3  }
0xa: {  	s10 =	ssub.s32 s5, s29;
	s7 =	sand.u32 $0x70, s31;
	s3 =	sadd.s32 $0x180000, s30  }
0xb: {  	s4 =	sadd.s32 $0x181000, s30;
	s5 =	sadd.s32 $0x182000, s30;
	s6 =	sadd.s32 $0x183000, s30  }
0xc: {  	s8 =	sadd.s32 $0x400, s9;
	s9 =	smax.u32 s10, $0x1;
	s10 =	simm.s32 $0x1  }
.LBB2_1:
0xd: {  	[tilespmem:s2], [sflag:$0x1] =	stream.linear.gather [hbm4b:s3+s2], $0x8000, $0x38;
	[tilespmem:$0x12000] =	vst v63  }
0xe: {  	_ =	swait.ge [sflag:s10], $0x8000  }
0xf: {  	[sflag:s10] =	ssyncset.done $0x0  }
0x10: {  	s16 =	simm.s32 $0x0;
	[sflag:s10] =	ssyncadd.s32 $0xFFFF8000  }
0x11: {  	[tilespmem:s11], [sflag:$0x2] =	stream.linear.gather [hbm4b:s4+s2], $0x8000, $0x38;
	[tilespmem:$0x12000] =	vst v63  }
.LBB2_2:
0x12: {  	s17 =	sshll.u32 s16, $0xF;
	s18 =	simm.s32 $0x0  }
0x13: {  	s17 =	sshra.s32 s17, $0x2;
	s21 =	sand.u32 $0xC00, s18  }
0x14: {  	s23 =	sand.u32 $0x60, s18;
	s22 =	sadd.s32 s21, s17  }
0x15: {  	s25 =	sadd.s32 s23, s22  }
0x16: {  	v2 =	vld [tilespmem:s25+$0x380]  }
0x17: {  	v3 =	vld [tilespmem:s25+$0x200]  }
0x18: {  	v4 =	vld [tilespmem:s25+$0x280]  }
0x19: {  	v5 =	vld [tilespmem:s25+$0x300]  }
0x1a: {  	v6 =	vld [tilespmem:s25+$0x180]  }
0x1b: {  	s19 =	sor.u32 $0x1000, s17;
	v8 =	vld [tilespmem:s25+$0x100]  }
0x1c: {  	s24 =	sadd.s32 s21, s19;
	v9 =	vld [tilespmem:s25+$0x0]  }
0x1d: {  	s20 =	sadd.s32 s23, s24;
	v15 =	vld [tilespmem:s25+$0x80]  }
0x1e: {  	v0 =	vld [tilespmem:s20+$0x300]  }
0x1f: {  	v1 =	vld [tilespmem:s20+$0x380]  }
0x20: {  	v7 =	vld [tilespmem:s20+$0x180]  }
0x21: {  	v10 =	vld [tilespmem:s20+$0x280]  }
0x22: {  	v11 =	vld [tilespmem:s20+$0x80]  }
0x23: {  	v12 =	vld [tilespmem:s20+$0x100]  }
0x24: {  	v13 =	vld [tilespmem:s20+$0x200]  }
0x25: {  	v14 =	vld [tilespmem:s20+$0x0];
	_ =	sdelay $0x1  }
0x26: {  	v6 =	vadd.f32 v6, v8;
	v2 =	vadd.f32 v2, v5  }
0x27: {  	v3 =	vadd.f32 v4, v3;
	v61 =	vadd.f32 v15, v9  }
0x28: {  	v0 =	vadd.f32 v1, v0;
	v58 =	vadd.f32 v7, v12  }
0x29: {  	v59 =	vadd.f32 v11, v14;
	v60 =	vadd.f32 v10, v13  }
0x2a: {  	v2 =	vadd.f32 v2, v3;
	v62 =	vadd.f32 v6, v61  }
0x2b: {  	v1 =	vadd.f32 v58, v59;
	v0 =	vadd.f32 v0, v60;
	_ =	sdelay $0x1  }
0x2c: {  	v63 =	vadd.f32 v2, v62;
	v0 =	vadd.f32 v0, v1  }
0x2d: {  	s31 =	sshll.u32 s16, $0x7  }
0x2e: {  	s20 =	sand.u32 $0x3FFFFF80, s31;
	v0 =	vadd.f32 v0, v63  }
0x2f: {  	s20 =	sadd.s32 $0x10000, s20  }
0x30: {  	s26 =	sadd.s32 s21, s20;
	v0 =	vmul.f32 $6.250000000e-02, v0  }
0x31: {  	s25 =	sor.u32 $0x10, s23;
	s28 =	sadd.s32 s23, s26  }
0x32: {  	s21 =	simm.s32 $0x20;
	s23 =	sadd.s32 s25, s26;
	[tilespmem:s28+$0x0] =	vst v0;
	s28 =	sadd.s32 s25, s24  }
.LBB2_3:
0x33: {  	p0 =	sne.s32 s21, $0x1E0  }
0x34: {  	v0 =	vld [tilespmem:s28+$0x380];
	s18 =	sadd.s32 $0x100, s18;
	s24 =	smov.u32 s21;
	s21 =	sadd.s32 $0x20, s21  }
0x35: {  	v1 =	vld [tilespmem:s28+$0x300]  }
0x36: {  	v2 =	vld [tilespmem:s28+$0x280]  }
0x37: {  	v3 =	vld [tilespmem:s28+$0x200]  }
0x38: {  	v4 =	vld [tilespmem:s28+$0x180]  }
0x39: {  	v5 =	vld [tilespmem:s28+$0x100]  }
0x3a: {  	v6 =	vld [tilespmem:s28+$0x80]  }
0x3b: {  	s22 =	sadd.s32 s25, s22;
	v7 =	vld [tilespmem:s28+$0x0]  }
0x3c: {  	v0 =	vadd.f32 v0, v1;
	v8 =	vld [tilespmem:s22+$0x380];
	v2 =	vadd.f32 v2, v3  }
0x3d: {  	v1 =	vld [tilespmem:s22+$0x300]  }
0x3e: {  	v3 =	vld [tilespmem:s22+$0x280];
	v0 =	vadd.f32 v0, v2  }
0x3f: {  	v2 =	vld [tilespmem:s22+$0x200]  }
0x40: {  	v4 =	vadd.f32 v4, v5;
	v9 =	vld [tilespmem:s22+$0x180];
	v6 =	vadd.f32 v6, v7  }
0x41: {  	v5 =	vld [tilespmem:s22+$0x100]  }
0x42: {  	v7 =	vld [tilespmem:s22+$0x80];
	v1 =	vadd.f32 v8, v1;
	v4 =	vadd.f32 v4, v6  }
0x43: {  	v6 =	vld [tilespmem:s22+$0x0]  }
0x44: {  	v2 =	vadd.f32 v3, v2;
	v0 =	vadd.f32 v0, v4;
	_ =	sdelay $0x1  }
0x45: {  	v3 =	vadd.f32 v9, v5;
	v1 =	vadd.f32 v1, v2;
	_ =	sdelay $0x1  }
0x46: {  	v2 =	vadd.f32 v7, v6;
	_ =	sdelay $0x1  }
0x47: {  	v2 =	vadd.f32 v3, v2;
	_ =	sdelay $0x1  }
0x48: {  	v1 =	vadd.f32 v1, v2;
	_ =	sdelay $0x1  }
0x49: {  	v0 =	vadd.f32 v0, v1;
	_ =	sdelay $0x1  }
0x4a: {  	s26 =	sand.u32 $0xC00, s18;
	v0 =	vmul.f32 $6.250000000e-02, v0  }
0x4b: {  	s25 =	sand.u32 $0x60, s24;
	s24 =	sadd.s32 s26, s19;
	s22 =	sadd.s32 s26, s17  }
0x4c: {  	s29 =	sadd.s32 s25, s24;
	s26 =	sadd.s32 s26, s20;
	s28 =	sadd.s32 s25, s22;
	[tilespmem:s23+$0x0] =	vst v0  }
0x4d: {  	s23 =	sadd.s32 s25, s26;
	v0 =	vld [tilespmem:s29+$0x300]  }
0x4e: {  	v1 =	vld [tilespmem:s29+$0x380]  }
0x4f: {  	v2 =	vld [tilespmem:s28+$0x380]  }
0x50: {  	v3 =	vld [tilespmem:s28+$0x200]  }
0x51: {  	v4 =	vld [tilespmem:s28+$0x280]  }
0x52: {  	v5 =	vld [tilespmem:s28+$0x300]  }
0x53: {  	v6 =	vld [tilespmem:s28+$0x180]  }
0x54: {  	v7 =	vld [tilespmem:s29+$0x180]  }
0x55: {  	v8 =	vld [tilespmem:s28+$0x100]  }
0x56: {  	v9 =	vld [tilespmem:s28+$0x0]  }
0x57: {  	v10 =	vld [tilespmem:s29+$0x280]  }
0x58: {  	v11 =	vld [tilespmem:s29+$0x80]  }
0x59: {  	v12 =	vld [tilespmem:s29+$0x100]  }
0x5a: {  	v13 =	vld [tilespmem:s29+$0x200]  }
0x5b: {  	v6 =	vadd.f32 v6, v8;
	v14 =	vld [tilespmem:s29+$0x0]  }
0x5c: {  	v2 =	vadd.f32 v2, v5;
	v8 =	vld [tilespmem:s28+$0x80];
	_ =	sdelay $0x1  }
0x5d: {  	v0 =	vadd.f32 v1, v0;
	v3 =	vadd.f32 v4, v3  }
0x5e: {  	v1 =	vadd.f32 v7, v12;
	v4 =	vadd.f32 v10, v13  }
0x5f: {  	v2 =	vadd.f32 v2, v3;
	v5 =	vadd.f32 v11, v14  }
0x60: {  	v3 =	vadd.f32 v8, v9  }
0x61: {  	v0 =	vadd.f32 v0, v4;
	v1 =	vadd.f32 v1, v5  }
0x62: {  	v3 =	vadd.f32 v6, v3  }
0x63: {  	v0 =	vadd.f32 v0, v1  }
0x64: {  	v1 =	vadd.f32 v2, v3;
	_ =	sdelay $0x1  }
.Ltmp0:
0x65: {  	v0 =	vadd.f32 v0, v1;
	(pc) =	sbr.rel @p0 .LBB2_3-.Ltmp0, $4  }
0x66: {  	_ = 	snop  }
0x67: {  	v0 =	vmul.f32 $6.250000000e-02, v0  }
0x68: {  	s25 =	sor.u32 $0x10, s25  }
0x69: {  	s28 =	sadd.s32 s25, s24;
	[tilespmem:s23+$0x0] =	vst v0;
	s23 =	sadd.s32 s25, s26  }
0x6a: {  	v0 =	vld [tilespmem:s28+$0x380]  }
0x6b: {  	v1 =	vld [tilespmem:s28+$0x300]  }
0x6c: {  	v2 =	vld [tilespmem:s28+$0x280]  }
0x6d: {  	v3 =	vld [tilespmem:s28+$0x200]  }
0x6e: {  	v4 =	vld [tilespmem:s28+$0x180]  }
0x6f: {  	v5 =	vld [tilespmem:s28+$0x100]  }
0x70: {  	v6 =	vld [tilespmem:s28+$0x80]  }
0x71: {  	s17 =	sadd.s32 s25, s22;
	v7 =	vld [tilespmem:s28+$0x0]  }
0x72: {  	v8 =	vld [tilespmem:s17+$0x380]  }
0x73: {  	v9 =	vld [tilespmem:s17+$0x300]  }
0x74: {  	v10 =	vld [tilespmem:s17+$0x280]  }
0x75: {  	v11 =	vld [tilespmem:s17+$0x200]  }
0x76: {  	v12 =	vld [tilespmem:s17+$0x180]  }
0x77: {  	v13 =	vld [tilespmem:s17+$0x100]  }
0x78: {  	v14 =	vld [tilespmem:s17+$0x80]  }
0x79: {  	v15 =	vld [tilespmem:s17+$0x0];
	_ =	sdelay $0x1  }
0x7a: {  	v2 =	vadd.f32 v2, v3;
	v0 =	vadd.f32 v0, v1  }
0x7b: {  	v55 =	vadd.f32 v6, v7;
	v56 =	vadd.f32 v4, v5  }
0x7c: {  	v57 =	vadd.f32 v8, v9;
	v58 =	vadd.f32 v10, v11  }
0x7d: {  	v59 =	vadd.f32 v12, v13;
	v60 =	vadd.f32 v14, v15  }
0x7e: {  	v0 =	vadd.f32 v0, v2;
	v1 =	vadd.f32 v56, v55  }
0x7f: {  	v61 =	vadd.f32 v57, v58;
	v62 =	vadd.f32 v59, v60;
	_ =	sdelay $0x1  }
0x80: {  	s16 =	sadd.s32 $0x1, s16;
	v0 =	vadd.f32 v0, v1;
	v63 =	vadd.f32 v61, v62  }
0x81: {  	p0 =	sne.s32 s16, $0x4  }
.Ltmp1:
0x82: {  	v0 =	vadd.f32 v0, v63;
	(pc) =	sbr.rel @p0 .LBB2_2-.Ltmp1, $3  }
0x83: {  	_ = 	snop  }
0x84: {  	v0 =	vmul.f32 $6.250000000e-02, v0;
	_ =	sdelay $0x1  }
0x85: {  	[tilespmem:s23+$0x0] =	vst v0  }
0x86: {  	_ =	swait.ge [sflag:s12], $0x8000  }
0x87: {  	[sflag:s12] =	ssyncset.done $0x0  }
0x88: {  	s16 =	simm.s32 $0x0;
	s17 =	simm.s32 $0x0;
	[sflag:s12] =	ssyncadd.s32 $0xFFFF8000  }
0x89: {  	[tilespmem:s16], [sflag:$0x1] =	stream.linear.gather [hbm4b:s5+s16], $0x8000, $0x38;
	[tilespmem:$0x12000] =	vst v63  }
.LBB2_6:
0x8a: {  	s18 =	sshll.u32 s17, $0xF  }
0x8b: {  	s19 =	sshra.s32 s18, $0x2  }
0x8c: {  	s20 =	sand.u32 $0xC00, s16;
	s18 =	sadd.s32 $0x9000, s19  }
0x8d: {  	s23 =	sand.u32 $0x60, s16;
	s19 =	sadd.s32 $0x8000, s19;
	s26 =	sadd.s32 s20, s18  }
0x8e: {  	s24 =	sadd.s32 s20, s19;
	s21 =	sadd.s32 s23, s26  }
0x8f: {  	s22 =	sadd.s32 s23, s24;
	v0 =	vld [tilespmem:s21+$0x380]  }
0x90: {  	v1 =	vld [tilespmem:s22+$0x380]  }
0x91: {  	v2 =	vld [tilespmem:s22+$0x280]  }
0x92: {  	v3 =	vld [tilespmem:s22+$0x300]  }
0x93: {  	v4 =	vld [tilespmem:s22+$0x200]  }
0x94: {  	v5 =	vld [tilespmem:s21+$0x280]  }
0x95: {  	v6 =	vld [tilespmem:s21+$0x80]  }
0x96: {  	v7 =	vld [tilespmem:s22+$0x180]  }
0x97: {  	v8 =	vld [tilespmem:s22+$0x0]  }
0x98: {  	v9 =	vld [tilespmem:s21+$0x180]  }
0x99: {  	v10 =	vld [tilespmem:s22+$0x100]  }
0x9a: {  	v11 =	vld [tilespmem:s21+$0x300]  }
0x9b: {  	v12 =	vld [tilespmem:s21+$0x0]  }
0x9c: {  	v13 =	vld [tilespmem:s21+$0x100]  }
0x9d: {  	v14 =	vld [tilespmem:s21+$0x200]  }
0x9e: {  	v15 =	vld [tilespmem:s22+$0x80];
	_ =	sdelay $0x1  }
0x9f: {  	v1 =	vadd.f32 v1, v3;
	v59 =	vadd.f32 v7, v10  }
0xa0: {  	v2 =	vadd.f32 v2, v4;
	v0 =	vadd.f32 v0, v11  }
0xa1: {  	v60 =	vadd.f32 v6, v12;
	v61 =	vadd.f32 v9, v13  }
0xa2: {  	v5 =	vadd.f32 v5, v14;
	v62 =	vadd.f32 v15, v8  }
0xa3: {  	v1 =	vadd.f32 v1, v2;
	v63 =	vadd.f32 v61, v60  }
0xa4: {  	v0 =	vadd.f32 v0, v5;
	v3 =	vadd.f32 v59, v62;
	_ =	sdelay $0x1  }
0xa5: {  	s31 =	sshll.u32 s17, $0x7;
	v0 =	vadd.f32 v0, v63;
	v1 =	vadd.f32 v1, v3  }
0xa6: {  	s21 =	sand.u32 $0x3FFFFF80, s31  }
0xa7: {  	s21 =	sadd.s32 $0x10000, s21;
	v0 =	vadd.f32 v0, v1  }
0xa8: {  	s20 =	sadd.s32 s20, s21  }
0xa9: {  	s25 =	sor.u32 $0x10, s23;
	s20 =	sadd.s32 $0x200, s20;
	v0 =	vmul.f32 $6.250000000e-02, v0  }
0xaa: {  	s28 =	sadd.s32 s25, s26;
	s23 =	sadd.s32 s23, s20  }
0xab: {  	s22 =	simm.s32 $0x20;
	s20 =	sadd.s32 s25, s20;
	[tilespmem:s23+$0x0] =	vst v0;
	s23 =	simm.s32 $0x0  }
.LBB2_7:
0xac: {  	p0 =	sne.s32 s22, $0x1E0  }
0xad: {  	v0 =	vld [tilespmem:s28+$0x280];
	s23 =	sadd.s32 $0x100, s23;
	s26 =	smov.u32 s22;
	s22 =	sadd.s32 $0x20, s22  }
0xae: {  	v1 =	vld [tilespmem:s28+$0x380]  }
0xaf: {  	s24 =	sadd.s32 s25, s24;
	v2 =	vld [tilespmem:s28+$0x300]  }
0xb0: {  	v3 =	vld [tilespmem:s24+$0x380]  }
0xb1: {  	v4 =	vld [tilespmem:s28+$0x0]  }
0xb2: {  	v5 =	vld [tilespmem:s28+$0x180]  }
0xb3: {  	v6 =	vld [tilespmem:s24+$0x0]  }
0xb4: {  	v7 =	vld [tilespmem:s24+$0x200];
	v1 =	vadd.f32 v1, v2  }
0xb5: {  	v2 =	vld [tilespmem:s24+$0x100]  }
0xb6: {  	v8 =	vld [tilespmem:s24+$0x300]  }
0xb7: {  	v9 =	vld [tilespmem:s28+$0x80]  }
0xb8: {  	v10 =	vld [tilespmem:s28+$0x100]  }
0xb9: {  	v11 =	vld [tilespmem:s24+$0x280]  }
0xba: {  	v12 =	vld [tilespmem:s28+$0x200]  }
0xbb: {  	v13 =	vld [tilespmem:s24+$0x180];
	v3 =	vadd.f32 v3, v8  }
0xbc: {  	v8 =	vld [tilespmem:s24+$0x80];
	v4 =	vadd.f32 v9, v4;
	_ =	sdelay $0x1  }
0xbd: {  	v5 =	vadd.f32 v5, v10;
	v7 =	vadd.f32 v11, v7  }
0xbe: {  	v0 =	vadd.f32 v0, v12  }
0xbf: {  	v2 =	vadd.f32 v13, v2;
	v3 =	vadd.f32 v3, v7  }
0xc0: {  	v6 =	vadd.f32 v8, v6;
	v0 =	vadd.f32 v1, v0  }
0xc1: {  	v1 =	vadd.f32 v5, v4  }
0xc2: {  	v2 =	vadd.f32 v2, v6  }
0xc3: {  	v0 =	vadd.f32 v0, v1  }
0xc4: {  	v1 =	vadd.f32 v3, v2;
	_ =	sdelay $0x1  }
0xc5: {  	v0 =	vadd.f32 v0, v1;
	_ =	sdelay $0x1  }
0xc6: {  	s25 =	sand.u32 $0xC00, s23;
	v0 =	vmul.f32 $6.250000000e-02, v0  }
0xc7: {  	s28 =	sand.u32 $0x60, s26;
	s26 =	sadd.s32 s25, s18;
	s24 =	sadd.s32 s25, s19  }
0xc8: {  	s30 =	sadd.s32 s28, s26;
	s25 =	sadd.s32 s25, s21;
	s29 =	sadd.s32 s28, s24;
	[tilespmem:s20+$0x0] =	vst v0  }
0xc9: {  	s20 =	sadd.s32 $0x200, s25;
	s25 =	sor.u32 $0x10, s28;
	v0 =	vld [tilespmem:s30+$0x380]  }
0xca: {  	s28 =	sadd.s32 s28, s20;
	s20 =	sadd.s32 s25, s20;
	v1 =	vld [tilespmem:s29+$0x380]  }
0xcb: {  	v2 =	vld [tilespmem:s29+$0x280]  }
0xcc: {  	v3 =	vld [tilespmem:s29+$0x300]  }
0xcd: {  	v4 =	vld [tilespmem:s29+$0x200]  }
0xce: {  	v5 =	vld [tilespmem:s30+$0x280]  }
0xcf: {  	v6 =	vld [tilespmem:s30+$0x80]  }
0xd0: {  	v7 =	vld [tilespmem:s29+$0x180]  }
0xd1: {  	v8 =	vld [tilespmem:s29+$0x0];
	v1 =	vadd.f32 v1, v3  }
0xd2: {  	v3 =	vld [tilespmem:s30+$0x180]  }
0xd3: {  	v9 =	vld [tilespmem:s29+$0x100]  }
0xd4: {  	v10 =	vld [tilespmem:s30+$0x300]  }
0xd5: {  	v11 =	vld [tilespmem:s30+$0x0]  }
0xd6: {  	v12 =	vld [tilespmem:s30+$0x100]  }
0xd7: {  	v13 =	vld [tilespmem:s30+$0x200]  }
0xd8: {  	v2 =	vadd.f32 v2, v4;
	v14 =	vld [tilespmem:s29+$0x80];
	v7 =	vadd.f32 v7, v9  }
0xd9: {  	v0 =	vadd.f32 v0, v10  }
0xda: {  	v1 =	vadd.f32 v1, v2;
	v4 =	vadd.f32 v6, v11  }
0xdb: {  	v2 =	vadd.f32 v3, v12  }
0xdc: {  	v3 =	vadd.f32 v5, v13  }
0xdd: {  	v5 =	vadd.f32 v14, v8;
	v2 =	vadd.f32 v2, v4  }
0xde: {  	v0 =	vadd.f32 v0, v3  }
0xdf: {  	v3 =	vadd.f32 v7, v5  }
0xe0: {  	v0 =	vadd.f32 v0, v2  }
0xe1: {  	v1 =	vadd.f32 v1, v3;
	_ =	sdelay $0x1  }
.Ltmp2:
0xe2: {  	v0 =	vadd.f32 v0, v1;
	(pc) =	sbr.rel @p0 .LBB2_7-.Ltmp2, $3  }
0xe3: {  	_ = 	snop  }
0xe4: {  	v0 =	vmul.f32 $6.250000000e-02, v0;
	_ =	sdelay $0x1  }
0xe5: {  	[tilespmem:s28+$0x0] =	vst v0;
	s28 =	sadd.s32 s25, s26  }
0xe6: {  	v0 =	vld [tilespmem:s28+$0x280]  }
0xe7: {  	v1 =	vld [tilespmem:s28+$0x380]  }
0xe8: {  	v2 =	vld [tilespmem:s28+$0x300]  }
0xe9: {  	v4 =	vld [tilespmem:s28+$0x0]  }
0xea: {  	v5 =	vld [tilespmem:s28+$0x180]  }
0xeb: {  	v10 =	vld [tilespmem:s28+$0x80]  }
0xec: {  	v11 =	vld [tilespmem:s28+$0x100]  }
0xed: {  	s18 =	sadd.s32 s25, s24;
	v13 =	vld [tilespmem:s28+$0x200]  }
0xee: {  	v3 =	vld [tilespmem:s18+$0x380]  }
0xef: {  	v6 =	vld [tilespmem:s18+$0x0]  }
0xf0: {  	v7 =	vld [tilespmem:s18+$0x200]  }
0xf1: {  	v8 =	vld [tilespmem:s18+$0x100]  }
0xf2: {  	v9 =	vld [tilespmem:s18+$0x300]  }
0xf3: {  	v12 =	vld [tilespmem:s18+$0x280]  }
0xf4: {  	v14 =	vld [tilespmem:s18+$0x180]  }
0xf5: {  	v15 =	vld [tilespmem:s18+$0x80];
	_ =	sdelay $0x1  }
0xf6: {  	v1 =	vadd.f32 v1, v2;
	v58 =	vadd.f32 v10, v4  }
0xf7: {  	v5 =	vadd.f32 v5, v11;
	v0 =	vadd.f32 v0, v13  }
0xf8: {  	v57 =	vadd.f32 v3, v9;
	v59 =	vadd.f32 v12, v7  }
0xf9: {  	v60 =	vadd.f32 v14, v8;
	v6 =	vadd.f32 v15, v6  }
0xfa: {  	v0 =	vadd.f32 v1, v0;
	v61 =	vadd.f32 v5, v58  }
0xfb: {  	v2 =	vadd.f32 v57, v59;
	v62 =	vadd.f32 v60, v6;
	_ =	sdelay $0x1  }
0xfc: {  	s17 =	sadd.s32 $0x1, s17;
	v0 =	vadd.f32 v0, v61;
	v63 =	vadd.f32 v2, v62  }
0xfd: {  	p0 =	sne.s32 s17, $0x4  }
.Ltmp3:
0xfe: {  	v0 =	vadd.f32 v0, v63;
	(pc) =	sbr.rel @p0 .LBB2_6-.Ltmp3, $3  }
0xff: {  	_ = 	snop  }
0x100: {  	v0 =	vmul.f32 $6.250000000e-02, v0;
	_ =	sdelay $0x1  }
0x101: {  	[tilespmem:s20+$0x0] =	vst v0  }
0x102: {  	_ =	swait.ge [sflag:s10], $0x8000  }
0x103: {  	[sflag:s10] =	ssyncset.done $0x0  }
0x104: {  	s16 =	simm.s32 $0x0;
	s17 =	simm.s32 $0x0;
	[sflag:s10] =	ssyncadd.s32 $0xFFFF8000  }
0x105: {  	[tilespmem:s11], [sflag:$0x2] =	stream.linear.gather [hbm4b:s6+s16], $0x8000, $0x38;
	[tilespmem:$0x12000] =	vst v63  }
.LBB2_10:
0x106: {  	s18 =	sshll.u32 s17, $0xF  }
0x107: {  	s21 =	sand.u32 $0xC00, s16;
	s18 =	sshra.s32 s18, $0x2  }
0x108: {  	s23 =	sand.u32 $0x60, s16;
	s22 =	sadd.s32 s21, s18  }
0x109: {  	s25 =	sadd.s32 s23, s22  }
0x10a: {  	v2 =	vld [tilespmem:s25+$0x380]  }
0x10b: {  	v3 =	vld [tilespmem:s25+$0x200]  }
0x10c: {  	v4 =	vld [tilespmem:s25+$0x280]  }
0x10d: {  	v5 =	vld [tilespmem:s25+$0x300]  }
0x10e: {  	v6 =	vld [tilespmem:s25+$0x180]  }
0x10f: {  	s19 =	sor.u32 $0x1000, s18;
	v8 =	vld [tilespmem:s25+$0x100]  }
0x110: {  	s24 =	sadd.s32 s21, s19;
	v9 =	vld [tilespmem:s25+$0x0]  }
0x111: {  	s20 =	sadd.s32 s23, s24;
	v15 =	vld [tilespmem:s25+$0x80]  }
0x112: {  	v0 =	vld [tilespmem:s20+$0x300]  }
0x113: {  	v1 =	vld [tilespmem:s20+$0x380]  }
0x114: {  	v7 =	vld [tilespmem:s20+$0x180]  }
0x115: {  	v10 =	vld [tilespmem:s20+$0x280]  }
0x116: {  	v11 =	vld [tilespmem:s20+$0x80]  }
0x117: {  	v12 =	vld [tilespmem:s20+$0x100]  }
0x118: {  	v13 =	vld [tilespmem:s20+$0x200]  }
0x119: {  	v14 =	vld [tilespmem:s20+$0x0];
	_ =	sdelay $0x1  }
0x11a: {  	v6 =	vadd.f32 v6, v8;
	v2 =	vadd.f32 v2, v5  }
0x11b: {  	v3 =	vadd.f32 v4, v3;
	v61 =	vadd.f32 v15, v9  }
0x11c: {  	v0 =	vadd.f32 v1, v0;
	v58 =	vadd.f32 v7, v12  }
0x11d: {  	v59 =	vadd.f32 v11, v14;
	v60 =	vadd.f32 v10, v13  }
0x11e: {  	v2 =	vadd.f32 v2, v3;
	v62 =	vadd.f32 v6, v61  }
0x11f: {  	v1 =	vadd.f32 v58, v59;
	v0 =	vadd.f32 v0, v60;
	_ =	sdelay $0x1  }
0x120: {  	v63 =	vadd.f32 v2, v62;
	v0 =	vadd.f32 v0, v1  }
0x121: {  	s30 =	sshll.u32 s17, $0x7  }
0x122: {  	s20 =	sand.u32 $0x3FFFFF80, s30;
	v0 =	vadd.f32 v0, v63  }
0x123: {  	s20 =	sadd.s32 $0x11000, s20  }
0x124: {  	s26 =	sor.u32 $0x10, s23;
	s31 =	sadd.s32 s21, s20;
	v0 =	vmul.f32 $6.250000000e-02, v0  }
0x125: {  	s29 =	sadd.s32 s26, s24;
	s28 =	sadd.s32 s23, s31  }
0x126: {  	s21 =	simm.s32 $0x20;
	s24 =	sadd.s32 s26, s31;
	s23 =	simm.s32 $0x0;
	[tilespmem:s28+$0x0] =	vst v0  }
.LBB2_11:
0x127: {  	p0 =	sne.s32 s21, $0x1E0  }
0x128: {  	v0 =	vld [tilespmem:s29+$0x380];
	s23 =	sadd.s32 $0x100, s23;
	s25 =	smov.u32 s21;
	s21 =	sadd.s32 $0x20, s21  }
0x129: {  	v1 =	vld [tilespmem:s29+$0x300]  }
0x12a: {  	v2 =	vld [tilespmem:s29+$0x280]  }
0x12b: {  	v3 =	vld [tilespmem:s29+$0x200]  }
0x12c: {  	v4 =	vld [tilespmem:s29+$0x180]  }
0x12d: {  	v5 =	vld [tilespmem:s29+$0x100]  }
0x12e: {  	v6 =	vld [tilespmem:s29+$0x80]  }
0x12f: {  	s22 =	sadd.s32 s26, s22;
	v7 =	vld [tilespmem:s29+$0x0]  }
0x130: {  	v0 =	vadd.f32 v0, v1;
	v8 =	vld [tilespmem:s22+$0x380];
	v2 =	vadd.f32 v2, v3  }
0x131: {  	v1 =	vld [tilespmem:s22+$0x300]  }
0x132: {  	v3 =	vld [tilespmem:s22+$0x280];
	v0 =	vadd.f32 v0, v2  }
0x133: {  	v2 =	vld [tilespmem:s22+$0x200]  }
0x134: {  	v4 =	vadd.f32 v4, v5;
	v9 =	vld [tilespmem:s22+$0x180];
	v6 =	vadd.f32 v6, v7  }
0x135: {  	v5 =	vld [tilespmem:s22+$0x100]  }
0x136: {  	v7 =	vld [tilespmem:s22+$0x80];
	v1 =	vadd.f32 v8, v1;
	v4 =	vadd.f32 v4, v6  }
0x137: {  	v6 =	vld [tilespmem:s22+$0x0]  }
0x138: {  	v2 =	vadd.f32 v3, v2;
	v0 =	vadd.f32 v0, v4;
	_ =	sdelay $0x1  }
0x139: {  	v3 =	vadd.f32 v9, v5;
	v1 =	vadd.f32 v1, v2;
	_ =	sdelay $0x1  }
0x13a: {  	v2 =	vadd.f32 v7, v6;
	_ =	sdelay $0x1  }
0x13b: {  	v2 =	vadd.f32 v3, v2;
	_ =	sdelay $0x1  }
0x13c: {  	v1 =	vadd.f32 v1, v2;
	_ =	sdelay $0x1  }
0x13d: {  	v0 =	vadd.f32 v0, v1;
	_ =	sdelay $0x1  }
0x13e: {  	s28 =	sand.u32 $0xC00, s23;
	v0 =	vmul.f32 $6.250000000e-02, v0  }
0x13f: {  	s26 =	sand.u32 $0x60, s25;
	s25 =	sadd.s32 s28, s19;
	s22 =	sadd.s32 s28, s18  }
0x140: {  	s30 =	sadd.s32 s26, s25;
	s28 =	sadd.s32 s28, s20;
	s29 =	sadd.s32 s26, s22;
	[tilespmem:s24+$0x0] =	vst v0  }
0x141: {  	s24 =	sadd.s32 s26, s28;
	v0 =	vld [tilespmem:s30+$0x300]  }
0x142: {  	v1 =	vld [tilespmem:s30+$0x380]  }
0x143: {  	v2 =	vld [tilespmem:s29+$0x380]  }
0x144: {  	v3 =	vld [tilespmem:s29+$0x200]  }
0x145: {  	v4 =	vld [tilespmem:s29+$0x280]  }
0x146: {  	v5 =	vld [tilespmem:s29+$0x300]  }
0x147: {  	v6 =	vld [tilespmem:s29+$0x180]  }
0x148: {  	v7 =	vld [tilespmem:s30+$0x180]  }
0x149: {  	v8 =	vld [tilespmem:s29+$0x100]  }
0x14a: {  	v9 =	vld [tilespmem:s29+$0x0]  }
0x14b: {  	v10 =	vld [tilespmem:s30+$0x280]  }
0x14c: {  	v11 =	vld [tilespmem:s30+$0x80]  }
0x14d: {  	v12 =	vld [tilespmem:s30+$0x100]  }
0x14e: {  	v13 =	vld [tilespmem:s30+$0x200]  }
0x14f: {  	v6 =	vadd.f32 v6, v8;
	v14 =	vld [tilespmem:s30+$0x0]  }
0x150: {  	v2 =	vadd.f32 v2, v5;
	v8 =	vld [tilespmem:s29+$0x80];
	_ =	sdelay $0x1  }
0x151: {  	v0 =	vadd.f32 v1, v0;
	v3 =	vadd.f32 v4, v3  }
0x152: {  	v1 =	vadd.f32 v7, v12;
	v4 =	vadd.f32 v10, v13  }
0x153: {  	v2 =	vadd.f32 v2, v3;
	v5 =	vadd.f32 v11, v14  }
0x154: {  	v3 =	vadd.f32 v8, v9  }
0x155: {  	v0 =	vadd.f32 v0, v4;
	v1 =	vadd.f32 v1, v5  }
0x156: {  	v3 =	vadd.f32 v6, v3  }
0x157: {  	v0 =	vadd.f32 v0, v1  }
0x158: {  	v1 =	vadd.f32 v2, v3;
	_ =	sdelay $0x1  }
.Ltmp4:
0x159: {  	v0 =	vadd.f32 v0, v1;
	(pc) =	sbr.rel @p0 .LBB2_11-.Ltmp4, $4  }
0x15a: {  	_ = 	snop  }
0x15b: {  	v0 =	vmul.f32 $6.250000000e-02, v0  }
0x15c: {  	s26 =	sor.u32 $0x10, s26  }
0x15d: {  	s29 =	sadd.s32 s26, s25;
	[tilespmem:s24+$0x0] =	vst v0;
	s24 =	sadd.s32 s26, s28  }
0x15e: {  	v0 =	vld [tilespmem:s29+$0x380]  }
0x15f: {  	v1 =	vld [tilespmem:s29+$0x300]  }
0x160: {  	v2 =	vld [tilespmem:s29+$0x280]  }
0x161: {  	v3 =	vld [tilespmem:s29+$0x200]  }
0x162: {  	v4 =	vld [tilespmem:s29+$0x180]  }
0x163: {  	v5 =	vld [tilespmem:s29+$0x100]  }
0x164: {  	v6 =	vld [tilespmem:s29+$0x80]  }
0x165: {  	s18 =	sadd.s32 s26, s22;
	v7 =	vld [tilespmem:s29+$0x0]  }
0x166: {  	v8 =	vld [tilespmem:s18+$0x380]  }
0x167: {  	v9 =	vld [tilespmem:s18+$0x300]  }
0x168: {  	v10 =	vld [tilespmem:s18+$0x280]  }
0x169: {  	v11 =	vld [tilespmem:s18+$0x200]  }
0x16a: {  	v12 =	vld [tilespmem:s18+$0x180]  }
0x16b: {  	v13 =	vld [tilespmem:s18+$0x100]  }
0x16c: {  	v14 =	vld [tilespmem:s18+$0x80]  }
0x16d: {  	v15 =	vld [tilespmem:s18+$0x0];
	_ =	sdelay $0x1  }
0x16e: {  	v2 =	vadd.f32 v2, v3;
	v0 =	vadd.f32 v0, v1  }
0x16f: {  	v55 =	vadd.f32 v6, v7;
	v56 =	vadd.f32 v4, v5  }
0x170: {  	v57 =	vadd.f32 v8, v9;
	v58 =	vadd.f32 v10, v11  }
0x171: {  	v59 =	vadd.f32 v12, v13;
	v60 =	vadd.f32 v14, v15  }
0x172: {  	v0 =	vadd.f32 v0, v2;
	v1 =	vadd.f32 v56, v55  }
0x173: {  	v61 =	vadd.f32 v57, v58;
	v62 =	vadd.f32 v59, v60;
	_ =	sdelay $0x1  }
0x174: {  	s17 =	sadd.s32 $0x1, s17;
	v0 =	vadd.f32 v0, v1;
	v63 =	vadd.f32 v61, v62  }
0x175: {  	p0 =	sne.s32 s17, $0x4  }
.Ltmp5:
0x176: {  	v0 =	vadd.f32 v0, v63;
	(pc) =	sbr.rel @p0 .LBB2_10-.Ltmp5, $3  }
0x177: {  	_ = 	snop  }
0x178: {  	v0 =	vmul.f32 $6.250000000e-02, v0;
	_ =	sdelay $0x1  }
0x179: {  	[tilespmem:s24+$0x0] =	vst v0  }
0x17a: {  	_ =	swait.ge [sflag:s12], $0x8000  }
0x17b: {  	[sflag:s12] =	ssyncset.done $0x0  }
0x17c: {  	s16 =	simm.s32 $0x0;
	s17 =	simm.s32 $0x0;
	[sflag:s12] =	ssyncadd.s32 $0xFFFF8000  }
.LBB2_14:
0x17d: {  	s18 =	sshll.u32 s17, $0xF  }
0x17e: {  	s19 =	sshra.s32 s18, $0x2  }
0x17f: {  	s20 =	sand.u32 $0xC00, s16;
	s18 =	sadd.s32 $0x9000, s19  }
0x180: {  	s22 =	sand.u32 $0x60, s16;
	s23 =	sadd.s32 s20, s18  }
0x181: {  	s21 =	sadd.s32 s22, s23  }
0x182: {  	v1 =	vld [tilespmem:s21+$0x280]  }
0x183: {  	v2 =	vld [tilespmem:s21+$0x180]  }
0x184: {  	s19 =	sadd.s32 $0x8000, s19;
	v3 =	vld [tilespmem:s21+$0x0]  }
0x185: {  	s24 =	sadd.s32 s20, s19;
	v4 =	vld [tilespmem:s21+$0x80]  }
0x186: {  	s25 =	sadd.s32 s22, s24;
	v5 =	vld [tilespmem:s21+$0x100]  }
0x187: {  	v6 =	vld [tilespmem:s25+$0x380]  }
0x188: {  	v0 =	vld [tilespmem:s25+$0x200]  }
0x189: {  	v7 =	vld [tilespmem:s25+$0x280]  }
0x18a: {  	v8 =	vld [tilespmem:s25+$0x300]  }
0x18b: {  	v9 =	vld [tilespmem:s25+$0x80]  }
0x18c: {  	v10 =	vld [tilespmem:s25+$0x100]  }
0x18d: {  	v11 =	vld [tilespmem:s25+$0x0]  }
0x18e: {  	v12 =	vld [tilespmem:s25+$0x180]  }
0x18f: {  	s29 =	sor.u32 $0xC, s17;
	v13 =	vld [tilespmem:s21+$0x380]  }
0x190: {  	s26 =	sxor.u32 s29, s7;
	v14 =	vld [tilespmem:s21+$0x200]  }
0x191: {  	p0 =	seq.s32 s26, $0x7F;
	s26 =	simm.f32 $0.0e+00;
	v15 =	vld [tilespmem:s21+$0x300]  }
0x192: {  	s26 =	simm.s32 @!p0 $0x3F800000  }
0x193: {  	v7 =	vadd.f32 v7, v0;
	v0 =	vmov s26;
	v6 =	vadd.f32 v6, v8  }
0x194: {  	v3 =	vadd.f32 v4, v3;
	v2 =	vadd.f32 v2, v5;
	v4 =	vmul.f32 v13, v0  }
0x195: {  	v5 =	vadd.f32 v9, v11;
	v63 =	vadd.f32 v12, v10  }
0x196: {  	v1 =	vadd.f32 v1, v14;
	v4 =	vadd.f32 v4, v15  }
0x197: {  	v6 =	vadd.f32 v6, v7;
	v2 =	vadd.f32 v2, v3  }
0x198: {  	v3 =	vadd.f32 v63, v5;
	v1 =	vadd.f32 v4, v1;
	_ =	sdelay $0x1  }
0x199: {  	v3 =	vadd.f32 v6, v3;
	v1 =	vadd.f32 v1, v2  }
0x19a: {  	s21 =	simm.f32 $6.666667010e-02;
	s25 =	sshll.u32 s29, $0x7  }
0x19b: {  	s21 =	simm.s32 @!p0 $0x3D800000;
	s25 =	sand.u32 $0x380, s25;
	v2 =	vadd.f32 v1, v3  }
0x19c: {  	v1 =	vmov s21;
	s21 =	sor.u32 $0x11000, s25  }
0x19d: {  	s20 =	sadd.s32 s20, s21;
	v2 =	vmul.f32 v2, v1  }
0x19e: {  	s31 =	sor.u32 $0x10, s22;
	s30 =	sadd.s32 s22, s20  }
0x19f: {  	s25 =	sadd.s32 s31, s23;
	[tilespmem:s30+$0x0] =	vst v2  }
0x1a0: {  	v2 =	vld [tilespmem:s25+$0x180]  }
0x1a1: {  	v3 =	vld [tilespmem:s25+$0x280]  }
0x1a2: {  	s24 =	sadd.s32 s31, s24;
	v4 =	vld [tilespmem:s25+$0x100]  }
0x1a3: {  	s23 =	simm.s32 $0x0;
	s22 =	simm.s32 $0x20;
	s20 =	sadd.s32 s31, s20;
	v5 =	vld [tilespmem:s24+$0x300]  }
.LBB2_15:
0x1a4: {  	p0 =	sne.s32 s22, $0x1E0  }
0x1a5: {  	v6 =	vld [tilespmem:s24+$0x380];
	s23 =	sadd.s32 $0x100, s23;
	s26 =	smov.u32 s22;
	s22 =	sadd.s32 $0x20, s22  }
0x1a6: {  	v7 =	vld [tilespmem:s25+$0x80]  }
0x1a7: {  	v8 =	vld [tilespmem:s25+$0x0]  }
0x1a8: {  	v9 =	vld [tilespmem:s24+$0x0]  }
0x1a9: {  	v10 =	vld [tilespmem:s24+$0x100]  }
0x1aa: {  	v11 =	vld [tilespmem:s24+$0x280];
	v5 =	vadd.f32 v6, v5  }
0x1ab: {  	v6 =	vld [tilespmem:s24+$0x200]  }
0x1ac: {  	v12 =	vld [tilespmem:s25+$0x200];
	v7 =	vadd.f32 v7, v8  }
0x1ad: {  	v8 =	vld [tilespmem:s24+$0x80]  }
0x1ae: {  	v13 =	vld [tilespmem:s25+$0x380]  }
0x1af: {  	v14 =	vld [tilespmem:s24+$0x180]  }
0x1b0: {  	v15 =	vld [tilespmem:s25+$0x300];
	v6 =	vadd.f32 v11, v6  }
0x1b1: {  	v2 =	vadd.f32 v2, v4;
	v3 =	vadd.f32 v3, v12  }
0x1b2: {  	v4 =	vadd.f32 v8, v9;
	v5 =	vadd.f32 v5, v6  }
0x1b3: {  	v2 =	vadd.f32 v2, v7;
	v6 =	vmul.f32 v13, v0  }
0x1b4: {  	v7 =	vadd.f32 v14, v10  }
0x1b5: {  	v6 =	vadd.f32 v6, v15  }
0x1b6: {  	v4 =	vadd.f32 v7, v4  }
0x1b7: {  	v3 =	vadd.f32 v6, v3  }
0x1b8: {  	v4 =	vadd.f32 v5, v4  }
0x1b9: {  	v2 =	vadd.f32 v3, v2;
	_ =	sdelay $0x1  }
0x1ba: {  	v2 =	vadd.f32 v2, v4;
	_ =	sdelay $0x1  }
0x1bb: {  	s28 =	sand.u32 $0xC00, s23;
	v2 =	vmul.f32 v2, v1  }
0x1bc: {  	s26 =	sand.u32 $0x60, s26;
	s24 =	sadd.s32 s28, s19;
	s25 =	sadd.s32 s28, s18  }
0x1bd: {  	s31 =	sadd.s32 s28, s21;
	s29 =	sadd.s32 s26, s24;
	s30 =	sadd.s32 s26, s25;
	[tilespmem:s20+$0x0] =	vst v2  }
0x1be: {  	s28 =	sadd.s32 s26, s31;
	s26 =	sor.u32 $0x10, s26;
	v2 =	vld [tilespmem:s30+$0x280]  }
0x1bf: {  	s20 =	sadd.s32 s26, s31;
	v3 =	vld [tilespmem:s30+$0x180]  }
0x1c0: {  	v4 =	vld [tilespmem:s30+$0x0]  }
0x1c1: {  	v5 =	vld [tilespmem:s30+$0x80]  }
0x1c2: {  	v6 =	vld [tilespmem:s30+$0x100]  }
0x1c3: {  	v7 =	vld [tilespmem:s29+$0x380]  }
0x1c4: {  	v8 =	vld [tilespmem:s29+$0x200]  }
0x1c5: {  	v9 =	vld [tilespmem:s29+$0x280]  }
0x1c6: {  	v10 =	vld [tilespmem:s29+$0x300]  }
0x1c7: {  	v11 =	vld [tilespmem:s29+$0x80]  }
0x1c8: {  	v12 =	vld [tilespmem:s29+$0x100]  }
0x1c9: {  	v13 =	vld [tilespmem:s29+$0x0]  }
0x1ca: {  	v14 =	vld [tilespmem:s29+$0x180];
	v8 =	vadd.f32 v9, v8  }
0x1cb: {  	v9 =	vld [tilespmem:s30+$0x380];
	v7 =	vadd.f32 v7, v10  }
0x1cc: {  	v10 =	vld [tilespmem:s30+$0x200]  }
0x1cd: {  	v4 =	vadd.f32 v5, v4;
	v3 =	vadd.f32 v3, v6;
	v15 =	vld [tilespmem:s30+$0x300]  }
0x1ce: {  	v6 =	vadd.f32 v7, v8;
	v5 =	vadd.f32 v11, v13  }
0x1cf: {  	v3 =	vadd.f32 v3, v4;
	v7 =	vadd.f32 v14, v12  }
0x1d0: {  	v4 =	vmul.f32 v9, v0  }
0x1d1: {  	v2 =	vadd.f32 v2, v10;
	v5 =	vadd.f32 v7, v5  }
0x1d2: {  	v4 =	vadd.f32 v4, v15  }
0x1d3: {  	v5 =	vadd.f32 v6, v5  }
0x1d4: {  	v2 =	vadd.f32 v4, v2;
	_ =	sdelay $0x1  }
0x1d5: {  	v2 =	vadd.f32 v2, v3;
	_ =	sdelay $0x1  }
0x1d6: {  	v2 =	vadd.f32 v2, v5;
	_ =	sdelay $0x1  }
0x1d7: {  	v2 =	vmul.f32 v2, v1;
	_ =	sdelay $0x1  }
.Ltmp6:
0x1d8: {  	s25 =	sadd.s32 s26, s25;
	[tilespmem:s28+$0x0] =	vst v2;
	(pc) =	sbr.rel @p0 .LBB2_15-.Ltmp6, $4  }
0x1d9: {  	v2 =	vld [tilespmem:s25+$0x180]  }
0x1da: {  	v3 =	vld [tilespmem:s25+$0x280]  }
0x1db: {  	s24 =	sadd.s32 s26, s24;
	v4 =	vld [tilespmem:s25+$0x100]  }
0x1dc: {  	v5 =	vld [tilespmem:s24+$0x300]  }
0x1dd: {  	v6 =	vld [tilespmem:s24+$0x380]  }
0x1de: {  	v7 =	vld [tilespmem:s25+$0x80]  }
0x1df: {  	v8 =	vld [tilespmem:s25+$0x0]  }
0x1e0: {  	v9 =	vld [tilespmem:s24+$0x0]  }
0x1e1: {  	v10 =	vld [tilespmem:s24+$0x100]  }
0x1e2: {  	v11 =	vld [tilespmem:s24+$0x280]  }
0x1e3: {  	v12 =	vld [tilespmem:s24+$0x200]  }
0x1e4: {  	v13 =	vld [tilespmem:s25+$0x200]  }
0x1e5: {  	v14 =	vld [tilespmem:s24+$0x80]  }
0x1e6: {  	v15 =	vld [tilespmem:s25+$0x380]  }
0x1e7: {  	v16 =	vld [tilespmem:s24+$0x180]  }
0x1e8: {  	v17 =	vld [tilespmem:s25+$0x300];
	_ =	sdelay $0x1  }
0x1e9: {  	v2 =	vadd.f32 v2, v4;
	v5 =	vadd.f32 v6, v5  }
0x1ea: {  	v59 =	vadd.f32 v7, v8;
	v60 =	vadd.f32 v11, v12;
	v0 =	vmul.f32 v15, v0  }
0x1eb: {  	v3 =	vadd.f32 v3, v13;
	v61 =	vadd.f32 v14, v9  }
0x1ec: {  	v62 =	vadd.f32 v16, v10;
	v0 =	vadd.f32 v0, v17  }
0x1ed: {  	v5 =	vadd.f32 v5, v60;
	v2 =	vadd.f32 v2, v59  }
0x1ee: {  	v4 =	vadd.f32 v62, v61;
	v0 =	vadd.f32 v0, v3;
	_ =	sdelay $0x1  }
0x1ef: {  	s17 =	sadd.s32 $0x1, s17;
	v63 =	vadd.f32 v5, v4;
	v0 =	vadd.f32 v0, v2  }
0x1f0: {  	p0 =	sne.s32 s17, $0x4  }
.Ltmp7:
0x1f1: {  	v0 =	vadd.f32 v0, v63;
	(pc) =	sbr.rel @p0 .LBB2_14-.Ltmp7, $3  }
0x1f2: {  	_ = 	snop  }
0x1f3: {  	v0 =	vmul.f32 v0, v1;
	_ =	sdelay $0x1  }
0x1f4: {  	[tilespmem:s20+$0x0] =	vst v0  }
0x1f5: {  	s15 =	sadd.s32 $0x1, s15  }
0x1f6: {  	p0 =	sne.s32 s15, s9  }
.Ltmp8:
0x1f7: {  	_ = 	snop;
	(pc) =	sbr.rel @p0 .LBB2_1-.Ltmp8, $4  }
0x1f8: {  	[hbm4b:s8+s2] =	stream.linear.scatter [tilespmem:s13], [sflag:$0x3], $0x2000, $0x38;
	[tilespmem:$0x12000] =	vst v63  }
0x1f9: {  	_ =	swait.ge [sflag:s14], $0x2000  }
0x1fa: {  	[sflag:s14] =	ssyncset.done $0x0  }
0x1fb: {  	[sflag:s14] =	ssyncadd.s32 $0xFFFFE000  }
0x1fc: {  	_ =	sfence.sel $0x180000  }
0x1fd: {  	[bflag:$0x0] =	sbarrier.arrive $0xFFFF  }
0x1fe: {  	p0 =	sne.s32 s1, $0x0;
	_ =	strace $0x90000047  }
0x1ff: {  	s0 =	sadd.s32 @!p0 $0x100000, s0;
	[bflag:$0x2] =	sbarrier.arrive $0xFFFF  }
0x200: {  	[sflag:s0] =	ssyncadd.tile.s32 @!p0 $0x1;
	_ =	shalt  }
.Lfunc_end2:
_tile_overlayer_lowered:
.L_overlay_start_2:
0x201: {  	(tag) =	ssettag $0x2  }
0x202: {  	s0 =	rddreg [dreg:$0x0];
	s2 =	stileid.u32  }
0x203: {  	s1 =	rddreg [dreg:$0x1];
	p0 =	sne.s32 s2, $0x0  }
0x204: {  	s3 =	rddreg [dreg:$0x2];
	[bflag:$0x3] =	sbarrier.arrive $0xFFFF;
	s2 =	simm.s32 @!p0 $0x1C03  }
0x205: {  	[timem:s3], [sflag:s2] =	dma.local @!p0 [hbm:s0], s1  }
0x206: {  	s0 =	simm.s32 @!p0 $0x3  }
0x207: {  	_ =	swait.ge @!p0 [sflag:s0], s1  }
0x208: {  	s1 =	ssub.s32 @!p0 $0x0, s1;
	[sflag:s0] =	ssyncset.done @!p0 $0x0  }
0x209: {  	[sflag:s0] =	ssyncadd.s32 @!p0 s1  }
0x20a: {  	[bflag:$0x3] =	sbarrier.arrive $0xFFFF  }
0x20b: {  	_ =	shalt  }

</sc_bundles>
